<compile_context>
chip_gen: v7x
topology: tpu7x:2x2x1
jax: 0.10.2.dev20260603
libtpu: 0.0.44.dev20260713+nightly
codegen_flags: <defaults>
</compile_context>

<pallas_src>
import jax
import jax.numpy as jnp
from jax.experimental import pallas as pl

B, D, K_NEG, N_HARD = 1024, 256, 65536, 1024
N1, N2, N3 = 128, 128, 128
TEMP = 0.2
HARD_ALPHA = 0.5
HARD_BETA = 1.5
HARD_GAMMA = 1.0

_RB, _CB = 256, 512


def _mm_body(q_ref, kq_ref, o_ref, qn_out_ref):
    kq = kq_ref[...]
    norm = jnp.sqrt(jnp.sum(kq * kq, axis=0, keepdims=True))
    kqn = kq / jnp.clip(norm, 1e-12, None)
    qn_out_ref[...] = kqn
    o_ref[...] = jnp.dot(q_ref[...], kqn,
                         preferred_element_type=jnp.float32) * (1.0 / TEMP)


def _logits_scaled(q_n, queue):
    return pl.pallas_call(
        _mm_body,
        grid=(B // _RB, K_NEG // _CB),
        in_specs=[
            pl.BlockSpec((_RB, D), lambda i, j: (i, 0)),
            pl.BlockSpec((D, _CB), lambda i, j: (0, j)),
        ],
        out_specs=[
            pl.BlockSpec((_RB, _CB), lambda i, j: (i, j)),
            pl.BlockSpec((D, _CB), lambda i, j: (0, j)),
        ],
        out_shape=[
            jax.ShapeDtypeStruct((B, K_NEG), jnp.float32),
            jax.ShapeDtypeStruct((D, K_NEG), jnp.float32),
        ],
    )(q_n, queue)


def kernel(q, queue):
    qn = q / jnp.clip(jnp.linalg.norm(q, axis=-1, keepdims=True), 1e-12, None)
    logits_s, queue_n = _logits_scaled(qn, queue)

    _, idxs_hard = jax.lax.top_k(logits_s, N_HARD)
    rk = jax.random.key(42)
    k_i1, k_a1, k_i2, k_b2, k_i3a, k_i3b, k_g3 = jax.random.split(rk, 7)
    queue_t = queue_n.T
    idxs1 = jax.random.randint(k_i1, (B, N1), 0, N_HARD)
    alpha = jax.random.uniform(k_a1, (B, N1, 1), dtype=jnp.float32) * HARD_ALPHA
    sel1 = jnp.take_along_axis(idxs_hard, idxs1, axis=1)
    hn1 = queue_t[sel1]
    s1 = alpha * qn[:, None, :] + (1.0 - alpha) * hn1
    s1 = s1 / jnp.clip(jnp.linalg.norm(s1, axis=-1, keepdims=True), 1e-12, None)
    idxs2 = jax.random.randint(k_i2, (B, N2), 0, N_HARD)
    beta = 1.0 + jax.random.uniform(k_b2, (B, N2, 1), dtype=jnp.float32) * (HARD_BETA - 1.0)
    sel2 = jnp.take_along_axis(idxs_hard, idxs2, axis=1)
    hn2 = queue_t[sel2]
    s2 = qn[:, None, :] + beta * (hn2 - qn[:, None, :])
    s2 = s2 / jnp.clip(jnp.linalg.norm(s2, axis=-1, keepdims=True), 1e-12, None)
    idxs3a = jax.random.randint(k_i3a, (B, N3), 0, N_HARD)
    idxs3b = jax.random.randint(k_i3b, (B, N3), 0, N_HARD)
    gamma = jax.random.uniform(k_g3, (B, N3, 1), dtype=jnp.float32) * HARD_GAMMA
    hn3a = queue_t[jnp.take_along_axis(idxs_hard, idxs3a, axis=1)]
    hn3b = queue_t[jnp.take_along_axis(idxs_hard, idxs3b, axis=1)]
    s3 = gamma * hn3a + (1.0 - gamma) * hn3b
    s3 = s3 / jnp.clip(jnp.linalg.norm(s3, axis=-1, keepdims=True), 1e-12, None)
    neg = jnp.concatenate([s1, s2, s3], axis=1)
    l_hard = jnp.einsum('bd,bnd->bn', qn, neg) * (1.0 / TEMP)
    return jnp.concatenate([logits_s, l_hard], axis=1)

# --- scband reference (transcript-rebuilt; emitter-appended) ---
"""Pipeline reference for scband-syn-co-17695265259639 (READ-ONLY COPY).

The authoritative reference and input builder live on the scoring server;
editing this copy changes nothing except your own understanding.
"""

import jax, jax.numpy as jnp
import numpy as np

B, D, K_NEG, N_HARD = 1024, 256, 65536, 1024
N1, N2, N3 = 128, 128, 128
TEMP = 0.2
HARD_ALPHA = 0.5
HARD_BETA = 1.5
HARD_GAMMA = 1.0

def _normalize(x, axis=-1):
    n = jnp.linalg.norm(x, axis=axis, keepdims=True)
    return x / jnp.clip(n, 1e-12, None)

def setup_inputs(seed: int = 0) -> dict:
    key = jax.random.key(seed)
    k1, k2 = jax.random.split(key)
    q = jax.random.normal(k1, (B, D), dtype=jnp.float32)
    queue = jax.random.normal(k2, (D, K_NEG), dtype=jnp.float32)
    return {"q": q, "queue": queue}

def reference(q, queue):
    # q is the predictor output (normalized); queue is the negative buffer (normalized along dim 0)
    q = _normalize(q, axis=-1)
    queue = _normalize(queue, axis=0)
    # logits against the negative queue: [B, K_NEG]
    logits = q @ queue
    # find_hard_negatives: top-n_hard indices per query (detached in torch)
    _, idxs_hard = jax.lax.top_k(jax.lax.stop_gradient(logits), N_HARD)
    rk = jax.random.key(42)
    k_i1, k_a1, k_i2, k_b2, k_i3a, k_i3b, k_g3 = jax.random.split(rk, 7)
    q_d = jax.lax.stop_gradient(q)
    queue_t = jax.lax.stop_gradient(queue.T)  # [K_NEG, D]
    # Type 1: interpolation  s = a*q + (1-a)*n
    idxs1 = jax.random.randint(k_i1, (B, N1), 0, N_HARD)
    alpha = jax.random.uniform(k_a1, (B, N1, 1), dtype=jnp.float32) * HARD_ALPHA
    sel1 = jnp.take_along_axis(idxs_hard, idxs1, axis=1)
    hn1 = queue_t[sel1]
    s1 = _normalize(alpha * q_d[:, None, :] + (1.0 - alpha) * hn1)
    # Type 2: extrapolation  s = q + b*(n - q)
    idxs2 = jax.random.randint(k_i2, (B, N2), 0, N_HARD)
    beta = 1.0 + jax.random.uniform(k_b2, (B, N2, 1), dtype=jnp.float32) * (HARD_BETA - 1.0)
    sel2 = jnp.take_along_axis(idxs_hard, idxs2, axis=1)
    hn2 = queue_t[sel2]
    s2 = _normalize(q_d[:, None, :] + beta * (hn2 - q_d[:, None, :]))
    # Type 3: mixup  s = g*n1 + (1-g)*n2
    idxs3a = jax.random.randint(k_i3a, (B, N3), 0, N_HARD)
    idxs3b = jax.random.randint(k_i3b, (B, N3), 0, N_HARD)
    gamma = jax.random.uniform(k_g3, (B, N3, 1), dtype=jnp.float32) * HARD_GAMMA
    hn3a = queue_t[jnp.take_along_axis(idxs_hard, idxs3a, axis=1)]
    hn3b = queue_t[jnp.take_along_axis(idxs_hard, idxs3b, axis=1)]
    s3 = _normalize(gamma * hn3a + (1.0 - gamma) * hn3b)
    # logits against synthetic hard negatives (negatives are detached)
    neg = jax.lax.stop_gradient(jnp.concatenate([s1, s2, s3], axis=1))  # [B, N1+N2+N3, D]
    l_hard = jnp.einsum('bd,bnd->bn', q, neg)
    out = jnp.concatenate([logits, l_hard], axis=1) / TEMP
    return out

if __name__ == "__main__":
    import jax
    _d = setup_inputs()
    print(jax.jit(kernel)(*tuple(_d.values())))

</pallas_src>

<mosaic_0001>
module attributes {stable_mosaic.version = 14 : i64} {
  func.func @_mm_body(%arg0: i32, %arg1: i32, %arg2: memref<256x256xf32, #tpu.memory_space<vmem>>, %arg3: memref<256x512xf32, #tpu.memory_space<vmem>>, %arg4: memref<256x512xf32, #tpu.memory_space<vmem>>, %arg5: memref<256x512xf32, #tpu.memory_space<vmem>>) attributes {dimension_semantics = [#tpu.dimension_semantics<arbitrary>, #tpu.dimension_semantics<arbitrary>], iteration_bounds = array<i64: 4, 128>, scalar_prefetch = 0 : i64, scratch_operands = 0 : i64, tpu.core_type = #tpu.core_type<tc>, window_params = [{transform_indices = @transform_0, window_bounds = array<i64: 256, 256>}, {transform_indices = @transform_1, window_bounds = array<i64: 256, 512>}, {transform_indices = @transform_2, window_bounds = array<i64: 256, 512>}, {transform_indices = @transform_3, window_bounds = array<i64: 256, 512>}]} {
    %get3A = arith.constant 0 : index
    %get3A_0 = arith.constant 0 : index
    %get3A_1 = vector.load %arg3[%get3A, %get3A_0] : memref<256x512xf32, #tpu.memory_space<vmem>>, vector<256x512xf32>
    %mul3A = arith.mulf %get3A_1, %get3A_1 : vector<256x512xf32>
    %reduce_sum3A = arith.constant dense<0.000000e+00> : vector<512xf32>
    %reduce_sum3A_2 = vector.multi_reduction <add>, %mul3A, %reduce_sum3A [0] : vector<256x512xf32> to vector<512xf32>
    %broadcast_in_dim3A = vector.shape_cast %reduce_sum3A_2 : vector<512xf32> to vector<1x512xf32>
    %sqrt3A = math.sqrt %broadcast_in_dim3A : vector<1x512xf32>
    %jit3A = arith.constant 9.99999996E-13 : f32
    %max3A = vector.broadcast %jit3A : f32 to vector<1x512xf32>
    %max3A_3 = arith.maximumf %max3A, %sqrt3A : vector<1x512xf32>
    %div3A = vector.broadcast %max3A_3 : vector<1x512xf32> to vector<256x512xf32>
    %div3A_4 = arith.divf %get3A_1, %div3A : vector<256x512xf32>
    %swap3A = arith.constant 0 : index
    %swap3A_5 = arith.constant 0 : index
    %swap3A_6 = vector.load %arg5[%swap3A, %swap3A_5] : memref<256x512xf32, #tpu.memory_space<vmem>>, vector<256x512xf32>
    tpu.vector_store %arg5[%swap3A, %swap3A_5], %div3A_4 {strides = array<i32>} : memref<256x512xf32, #tpu.memory_space<vmem>>, vector<256x512xf32>,
    %get3A_7 = arith.constant 0 : index
    %get3A_8 = arith.constant 0 : index
    %get3A_9 = vector.load %arg2[%get3A_7, %get3A_8] : memref<256x256xf32, #tpu.memory_space<vmem>>, vector<256x256xf32>
    %dot_general3A = arith.constant dense<0.000000e+00> : vector<256x512xf32>
    %dot_general3A_10 = tpu.matmul %get3A_9, %div3A_4, %dot_general3A {dimension_numbers = #tpu.dot_dimension_numbers<[1], [0], [0], [1], [0, 0, 1, 1], [], []>, transpose_lhs_hint = false} : vector<256x256xf32>, vector<256x512xf32>, vector<256x512xf32> -> vector<256x512xf32>
    %mul3A_11 = arith.constant 5.000000e+00 : f32
    %mul3A_12 = vector.broadcast %mul3A_11 : f32 to vector<256x512xf32>
    %mul3A_13 = arith.mulf %dot_general3A_10, %mul3A_12 : vector<256x512xf32>
    %swap3A_14 = arith.constant 0 : index
    %swap3A_15 = arith.constant 0 : index
    %swap3A_16 = vector.load %arg4[%swap3A_14, %swap3A_15] : memref<256x512xf32, #tpu.memory_space<vmem>>, vector<256x512xf32>
    tpu.vector_store %arg4[%swap3A_14, %swap3A_15], %mul3A_13 {strides = array<i32>} : memref<256x512xf32, #tpu.memory_space<vmem>>, vector<256x512xf32>,
    return
  }
  func.func @transform_0(%arg0: i32, %arg1: i32) -> (i32, i32) {
    %c0_i32 = arith.constant 0 : i32
    %c0_i32_0 = arith.constant 0 : i32
    return %arg0, %c0_i32 : i32, i32
  }
  func.func @transform_1(%arg0: i32, %arg1: i32) -> (i32, i32) {
    %c0_i32 = arith.constant 0 : i32
    %c0_i32_0 = arith.constant 0 : i32
    return %c0_i32, %arg1 : i32, i32
  }
  func.func @transform_2(%arg0: i32, %arg1: i32) -> (i32, i32) {
    %c0_i32 = arith.constant 0 : i32
    return %arg0, %arg1 : i32, i32
  }
  func.func @transform_3(%arg0: i32, %arg1: i32) -> (i32, i32) {
    %c0_i32 = arith.constant 0 : i32
    %c0_i32_0 = arith.constant 0 : i32
    return %c0_i32, %arg1 : i32, i32
  }
}

</mosaic_0001>

<sc_bundles>
// kernel: gather_offload_async_start.1
scs
__scs_entry_jumppad:
0x0: {  	(pc) =	sbr.rel $0x88, $3  }
0x1: {  	(tag) =	ssettag $0x0;
	lr =	simm.s32 $0x1  }
0x2: {  	[smem:$0x3F9F] =	sst lr;
	_ =	strace $0xD0000000  }
0x3: {  	_ = 	snop  }
0x4: {  	_ = 	snop  }
0x5: {  	_ = 	snop  }
0x6: {  	_ = 	snop  }
0x7: {  	_ = 	snop  }
__scs_overlays_trampoline_lowered:
0x8: {  	[smem:$0x3FAE] =	sst s0  }
0x9: {  	[smem:$0x3FAF] =	sst s1  }
0xa: {  	[smem:$0x3FB0] =	sst s2  }
0xb: {  	[smem:$0x3FB1] =	sst s3  }
0xc: {  	[smem:$0x3FB2] =	sst s4  }
0xd: {  	[smem:$0x3FB3] =	sst s5  }
0xe: {  	[smem:$0x3FB4] =	sst s6  }
0xf: {  	[smem:$0x3FB5] =	sst s7  }
0x10: {  	[smem:$0x3FB6] =	sst s8  }
0x11: {  	[smem:$0x3FB7] =	sst s9;
	s0 =	simm.s32 @!p0 $0x0  }
0x12: {  	s1 =	sld [smem:$0x3F9D];
	s0 =	simm.s32 @p0 $0x1  }
0x13: {  	[smem:$0x3FB8] =	sst s0;
	s0 =	simm.s32 @!p1 $0x0  }
0x14: {  	s2 =	sld [smem:$0x3F9C];
	s0 =	simm.s32 @p1 $0x1  }
0x15: {  	[smem:$0x3FB9] =	sst s0;
	s0 =	simm.s32 @!p2 $0x0  }
0x16: {  	s3 =	sld [smem:$0x3FDB];
	s0 =	simm.s32 @p2 $0x1  }
0x17: {  	s4 =	simm.s32 $0x1BF5;
	[smem:$0x3FBB] =	sst s0  }
0x18: {  	s0 =	sld [smem:$0x3F9E];
	_ =	swait.ge [sflag:s4], $0x0  }
0x19: {  	s7 =	sld [smem:$0x3F9F]  }
0x1a: {  	s8 =	sadd.s32 $0xFFFFE003, lr  }
0x1b: {  	s9 =	sadd.s32 $0xFFFFFEF7, lr;
	s5 =	simm.s32 $0xFFFFFFFF;
	p2 =	slt.u32 s8, $0xFFFFF086  }
0x1c: {  	p1 =	slt.u32 s9, $0xF7A;
	s5 =	simm.s32 @!p2 $0x0  }
0x1d: {  	s5 =	simm.s32 @p1 $0x1;
	p0 =	seq.s32 s7, s2  }
0x1e: {  	s7 =	smul.u32 @!p0 $0xF7A, s2;
	p2 =	seq.s32 @!p0 s5, $0x0  }
0x1f: {  	s9 =	smul.u32 $0xF7A, s1;
	s8 =	simm.s32 @!p0 $0x1BF5;
	p2 =	por !p2, p0  }
0x20: {  	[sflag:s8] =	ssyncset.s32 @!p0 $0xFFFFF086;
	s6 =	sadd.s32 @!p0 s3, s7;
	s7 =	simm.s32 @!p0 $0x108  }
0x21: {  	s3 =	sadd.s32 s3, s9;
	s6 =	sadd.s32 @!p0 $0x88, s6;
	s7 =	simm.s32 @p2 $0x1082  }
0x22: {  	[simem:s7], [sflag:s8] =	dma.local @!p0 [hbm:s6], $0xF7A  }
0x23: {  	s9 =	sor.u32 $0xD0000000, s2;
	s6 =	simm.s32 $0x108;
	_ =	swait.ge @!p0 [sflag:s8], $0x0  }
0x24: {  	s3 =	sadd.s32 $0x88, s3;
	s6 =	simm.s32 @!p1 $0x1082;
	[sflag:s4] =	ssyncset.s32 $0xFFFFF086  }
0x25: {  	[simem:s6], [sflag:s4] =	dma.local [hbm:s3], $0xF7A  }
0x26: {  	[smem:$0x3F9F] =	sst s1;
	(tag) =	ssettag s2;
	_ =	strace s9  }
0x27: {  	s1 =	sld [smem:$0x3FAF]  }
0x28: {  	s2 =	sld [smem:$0x3FB0]  }
0x29: {  	s4 =	sld [smem:$0x3FB2]  }
0x2a: {  	p0 =	seq.s32 s5, $0x0;
	s5 =	sld [smem:$0x3FB3]  }
0x2b: {  	s6 =	sld [smem:$0x3FB4]  }
0x2c: {  	s7 =	sld [smem:$0x3FB5]  }
0x2d: {  	s3 =	simm.s32 $0x108;
	s8 =	sld [smem:$0x3FB6]  }
0x2e: {  	s3 =	simm.s32 @!p0 $0x1082;
	s9 =	sld [smem:$0x3FB7]  }
0x2f: {  	lr =	sadd.s32 s0, s3;
	s0 =	sld [smem:$0x3FAE]  }
0x30: {  	s3 =	sld [smem:$0x3FB1]  }
0x31: {  	[smem:$0x3FBA] =	sst s10  }
0x32: {  	s10 =	sld [smem:$0x3FB8];
	_ =	sdelay $0x3  }
0x33: {  	p0 =	seq.s32 s10, $0x1;
	s10 =	sld [smem:$0x3FBA];
	_ =	sdelay $0x3  }
0x34: {  	[smem:$0x3FBA] =	sst s10  }
0x35: {  	s10 =	sld [smem:$0x3FB9];
	_ =	sdelay $0x3  }
0x36: {  	p1 =	seq.s32 s10, $0x1;
	s10 =	sld [smem:$0x3FBA];
	_ =	sdelay $0x3  }
0x37: {  	[smem:$0x3FBA] =	sst s10  }
0x38: {  	s10 =	sld [smem:$0x3FBB]  }
0x39: {  	_ = 	snop;
	(pc) =	sbr.ind lr, $3  }
0x3a: {  	_ = 	snop  }
0x3b: {  	_ = 	snop  }
0x3c: {  	p2 =	seq.s32 s10, $0x1;
	s10 =	sld [smem:$0x3FBA]  }
0x3d: {  	_ =	shalt  }
0x3e: {  	_ =	shalt  }
0x3f: {  	_ =	shalt  }
0x40: {  	_ =	shalt  }
0x41: {  	_ =	shalt  }
0x42: {  	_ =	shalt  }
0x43: {  	_ =	shalt  }
0x44: {  	_ =	shalt  }
0x45: {  	_ =	shalt  }
0x46: {  	_ =	shalt  }
0x47: {  	_ =	shalt  }
0x48: {  	_ =	shalt  }
0x49: {  	_ =	shalt  }
0x4a: {  	_ =	shalt  }
0x4b: {  	_ =	shalt  }
0x4c: {  	_ =	shalt  }
0x4d: {  	_ =	shalt  }
0x4e: {  	_ =	shalt  }
0x4f: {  	_ =	shalt  }
0x50: {  	_ =	shalt  }
0x51: {  	_ =	shalt  }
0x52: {  	_ =	shalt  }
0x53: {  	_ =	shalt  }
0x54: {  	_ =	shalt  }
0x55: {  	_ =	shalt  }
0x56: {  	_ =	shalt  }
0x57: {  	_ =	shalt  }
0x58: {  	_ =	shalt  }
0x59: {  	_ =	shalt  }
0x5a: {  	_ =	shalt  }
0x5b: {  	_ =	shalt  }
0x5c: {  	_ =	shalt  }
0x5d: {  	_ =	shalt  }
0x5e: {  	_ =	shalt  }
0x5f: {  	_ =	shalt  }
0x60: {  	_ =	shalt  }
0x61: {  	_ =	shalt  }
0x62: {  	_ =	shalt  }
0x63: {  	_ =	shalt  }
0x64: {  	_ =	shalt  }
0x65: {  	_ =	shalt  }
0x66: {  	_ =	shalt  }
0x67: {  	_ =	shalt  }
0x68: {  	_ =	shalt  }
0x69: {  	_ =	shalt  }
0x6a: {  	_ =	shalt  }
0x6b: {  	_ =	shalt  }
0x6c: {  	_ =	shalt  }
0x6d: {  	_ =	shalt  }
0x6e: {  	_ =	shalt  }
0x6f: {  	_ =	shalt  }
0x70: {  	_ =	shalt  }
0x71: {  	_ =	shalt  }
0x72: {  	_ =	shalt  }
0x73: {  	_ =	shalt  }
0x74: {  	_ =	shalt  }
0x75: {  	_ =	shalt  }
0x76: {  	_ =	shalt  }
0x77: {  	_ =	shalt  }
0x78: {  	_ =	shalt  }
0x79: {  	_ =	shalt  }
0x7a: {  	_ =	shalt  }
0x7b: {  	_ =	shalt  }
0x7c: {  	_ =	shalt  }
0x7d: {  	_ =	shalt  }
0x7e: {  	_ =	shalt  }
0x7f: {  	_ =	shalt  }
0x80: {  	_ =	shalt  }
0x81: {  	_ =	shalt  }
0x82: {  	_ =	shalt  }
0x83: {  	_ =	shalt  }
0x84: {  	_ =	shalt  }
0x85: {  	_ =	shalt  }
0x86: {  	_ =	shalt  }
0x87: {  	_ =	shalt  }
.Lfunc_end0:
.L_simem_size_0:
called_computation.2_lowered:
.L_overlay_start_0:
0x88: {  	s2 =	sld [smem:$0x3FD9]  }
0x89: {  	s3 =	sld [smem:$0x3FFE];
	_ =	sdelay $0x1  }
0x8a: {  	s1 =	srdreg.scid  }
0x8b: {  	s0 =	sand.u32 $0x1, s1  }
0x8c: {  	s17 =	sshll.u32 s0, $0xA;
	s2 =	sadd.s32 s3, s2  }
0x8d: {  	s2 =	sadd.s32 s2, s17  }
0x8e: {  	[smem:$0x3FC6] =	sst s2  }
0x8f: {  	_ = 	snop  }
0x90: {  	s18 =	sld [smem:$0x3FD0];
	(tm) =	ssettm $0x1  }
0x91: {  	s19 =	sld [smem:$0x3FFB];
	_ =	sdelay $0x3  }
0x92: {  	_ =	strace s19  }
0x93: {  	s2 =	sld [smem:$0x3FFC];
	_ =	sdelay $0x3  }
0x94: {  	_ =	strace s2  }
0x95: {  	s2 =	sld [smem:$0x3FFD];
	_ =	sdelay $0x3  }
0x96: {  	_ =	strace s2  }
0x97: {  	_ =	strace $0x8FFFFFFF  }
0x98: {  	s20 =	sld [smem:$0x3FDB];
	_ =	sdelay $0x1  }
0x99: {  	s4 =	simm.s32 $_scs_section_size  }
0x9a: {  	s5 =	simm.s32 $_size__tile_overlayer_lowered;
	s6 =	simm.s32 $_tile_overlayer_lowered  }
0x9b: {  	s7 =	simm.s32 $0x1BFF;
	s21 =	sshll.u32 s6, $0x1;
	s4 =	sadd.s32 s4, s20  }
0x9c: {  	s22 =	simm.s32 $0x0;
	s5 =	sshll.u32 s5, $0x1;
	s6 =	sadd.s32 s21, s4  }
0x9d: {  	[timem:s22], [sflag:s7] =	dma.local [hbm:s6], s5  }
0x9e: {  	_ =	swait.ge [sflag:s7], s5  }
0x9f: {  	s5 =	ssub.s32 $0x0, s5;
	[sflag:s7] =	ssyncset.done $0x0  }
0xa0: {  	[sflag:s7] =	ssyncadd.s32 s5;
	_ =	sdelay $0x1  }
0xa1: {  	s23 =	simm.s32 $0x1B8B  }
0xa2: {  	_ =	swait.ge [sflag:s23], $0x1  }
0xa3: {  	[sflag:s23] =	ssyncset.done $0x0  }
0xa4: {  	[sflag:s23] =	ssyncadd.s32 $0xFFFFFFFF  }
0xa5: {  	s5 =	sld [smem:$0x0]  }
0xa6: {  	s6 =	sand.u32 $0xFFFFFFFE, s1  }
0xa7: {  	p0 =	sne.s32 s1, s6  }
0xa8: {  	s6 =	sshll.u32 @p0 s6, $0xE  }
0xa9: {  	s6 =	sadd.s32 @p0 $0x11B8D, s6;
	s7 =	sshll.u32 @p0 s5, $0x11  }
0xaa: {  	s6 =	sor.u32 @p0 s7, s6  }
0xab: {  	[sflag:s6] =	ssyncadd.remote.s32 @p0 $0x1;
	_ =	sdelay $0x1  }
0xac: {  	s6 =	simm.s32 @p0 $0x1B8D  }
0xad: {  	_ =	swait.eq @p0 [sflag:s6], $0x1  }
0xae: {  	[sflag:s6] =	ssyncadd.s32 @p0 $0xFFFFFFFF  }
0xaf: {  	s7 =	sshll.u32 @!p0 s1, $0xE  }
0xb0: {  	s7 =	sor.u32 @!p0 $0x4000, s7;
	s6 =	simm.s32 @!p0 $0x1B8D  }
0xb1: {  	s5 =	sshll.u32 @!p0 s5, $0x11;
	s7 =	sadd.s32 @!p0 $0x11B8D, s7;
	_ =	swait.eq @!p0 [sflag:s6], $0x1  }
0xb2: {  	s5 =	sor.u32 @!p0 s5, s7;
	[sflag:s6] =	ssyncadd.s32 @!p0 $0xFFFFFFFF  }
0xb3: {  	s25 =	simm.s32 $0x1B8E;
	s24 =	sld [smem:$0x3FFE];
	[sflag:s5] =	ssyncadd.remote.s32 @!p0 $0x1  }
0xb4: {  	s26 =	simm.s32 $execute0_lowered;
	[smem:$0x3FD2] =	sst s25  }
0xb5: {  	s6 =	sshll.u32 s26, $0x1;
	_ =	strace $0x8000005E;
	[dreg:$0x1] =	wrdreg $0xFFFFFFFF  }
0xb6: {  	s28 =	simm.s32 $_size_execute0_lowered;
	s4 =	sadd.s32 s4, s6;
	[dreg:$0x0] =	wrdreg $0x0  }
0xb7: {  	s6 =	sshll.u32 s28, $0x1;
	[dreg:$0x2] =	wrdreg s4  }
0xb8: {  	[dreg:$0x3] =	wrdreg s6  }
0xb9: {  	[dreg:$0x4] =	wrdreg $0xC0  }
0xba: {  	_ =	task [dreg:s22], $0x5FFFF  }
0xbb: {  	[dreg:$0x1] =	wrdreg $0xFFFFFFFF  }
0xbc: {  	[dreg:$0x0] =	wrdreg $0x60  }
0xbd: {  	[dreg:$0x2] =	wrdreg s24  }
0xbe: {  	[dreg:$0x3] =	wrdreg s18  }
0xbf: {  	[dreg:$0x4] =	wrdreg $0xA  }
0xc0: {  	_ =	task.clear_ibuf [dreg:s22], $0x5FFFF;
	_ =	strace $0x9000005E  }
0xc1: {  	s29 =	simm.s32 $0xA;
	_ =	strace $0x80000060  }
0xc2: {  	_ =	swait.ge [sflag:s29], $0x1  }
0xc3: {  	[sflag:s29] =	ssyncadd.s32 $0xFFFFFFFF  }
0xc4: {  	_ =	strace $0x90000060  }
0xc5: {  	_ =	sfence  }
0xc6: {  	s30 =	sld [smem:$0x0];
	_ =	sdelay $0x2  }
0xc7: {  	s31 =	sshll.u32 s1, $0xD;
	s1 =	sshrl.u32 s1, $0x2  }
0xc8: {  	s4 =	sand.u32 $0x4000, s31;
	s1 =	sadd.s32 s1, s30  }
0xc9: {  	s0 =	sor.u32 s4, s0;
	s1 =	sshll.u32 s1, $0x11  }
0xca: {  	s0 =	sor.u32 s1, s0  }
0xcb: {  	s0 =	sadd.s32 $0x8F2B, s0  }
0xcc: {  	[sflag:s0] =	ssyncadd.remote.s32 $0x1  }
0xcd: {  	_ =	sfence.sel $0xFFFF  }
0xce: {  	[dreg:$0x0] =	wrdreg $0xFFFFFFFF;
	(pc) =	sbr.abs _section_cstart, $3  }
0xcf: {  	[dreg:$0x1] =	wrdreg $0xFFFFFFFF  }
0xd0: {  	_ =	task.clear_ibuf [dreg:s22], $0x2FFFF;
	_ =	strace $0x9FFFFFFF  }
0xd1: {  	(tm) =	ssettm $0x7FFFFFFF  }
tec
execute0_lowered:
.L_overlay_start_1:
0x0: {  	(tag) =	ssettag $0x1  }
0x1: {  	s7 =	rddreg [dreg:$0x0]  }
0x2: {  	s2 =	rddreg [dreg:$0x1]  }
0x3: {  	s0 =	rddreg [dreg:$0x2]  }
0x4: {  	s1 =	srdreg.scid;
	_ =	strace $0x8000005F;
	s4 =	simm.s32 $0x1  }
0x5: {  	s9 =	simm.s32 $0x3;
	s11 =	simm.s32 $0x0;
	s5 =	sshll.u32 s1, $0x4  }
.Ltmp0:
0x6: {  	s1 =	stileid.u32;
	s5 =	sand.u32 $0x10, s5;
	(pc) =	sbr.rel .LBB2_1-.Ltmp0, $4  }
0x7: {  	p0 =	por $0x0, $0x0;
	s3 =	sadd.s32 $0xA47E00, s7;
	s6 =	sor.u32 s1, s5  }
0x8: {  	[sflag:s4] =	ssyncpa.u1 $0x0;
	s5 =	simm.s32 $0x2;
	s6 =	sshll.u32 s6, $0xC  }
0x9: {  	s7 =	sadd.s32 $0xA17E00, s7;
	[sflag:s5] =	ssyncpa.u1 $0x0;
	s8 =	sadd.s32 $0x1000, s6  }
0xa: {  	vm0 =	vmmov $0xff;
	vm1 =	vcmask $0x3F20;
	[sflag:s9] =	ssyncpa.u1 $0x0;
	s10 =	smov.u32 s6;
	s9 =	simm.s32 $0x0  }
.LBB2_8:
0xb: {  	[hbm:s15] =	stream.linear.scatter [tilespmem:s12], [sflag:$0x3], $0x800, $0x38;
	[tilespmem:$0x10100] =	vst v63  }
.LBB2_9:
0xc: {  	p1 =	slt.u32 s9, $0x2;
	s11 =	sadd.s32 $0x80, s10  }
0xd: {  	s13 =	smov.u32 s6;
	s9 =	sadd.s32 $0x1, s9;
	p2 =	slt.s32 s11, s8  }
0xe: {  	s13 =	smov.u32 @p2 s11;
	p2 =	sne.s32 s9, $0x22  }
.Ltmp1:
0xf: {  	_ = 	snop;
	(pc) =	sbr.rel @!p2 .LBB2_10-.Ltmp1, $4  }
0x10: {  	s12 =	simm.s32 @!p1 $0x3  }
0x11: {  	_ =	swait.ge @!p1 [sflag:s12], $0x8000  }
0x12: {  	p0 =	por !p0, !p0;
	[sflag:s12] =	ssyncset.done @!p1 $0x0  }
0x13: {  	s11 =	smov.u32 s10;
	s10 =	smov.u32 s13;
	[sflag:s12] =	ssyncadd.s32 @!p1 $0xFFFF8000  }
.LBB2_1:
0x14: {  	p1 =	sgt.u32 s9, $0x1F  }
0x15: {  	s12 =	sxor.u32 @!p1 $0xFFFFFFFF, s9  }
0x16: {  	s13 =	sshrl.u32 @!p1 s10, $0x3;
	s12 =	sshll.u32 @!p1 s12, $0x7  }
0x17: {  	s14 =	sand.u32 @!p1 $0x7, s10;
	s13 =	sadd.s32 @!p1 s7, s13;
	s12 =	sand.u32 @!p1 $0x80, s12  }
0x18: {  	[tilespmem:s12], [sflag:$0x2] =	stream.linear.gather @!p1 [hbm4b:s13+s14], $0x80, $0x38;
	[tilespmem:$0x10100] =	vst v63  }
0x19: {  	p1 =	seq.s32 s9, $0x0  }
0x1a: {  	p2 =	seq.s32 @!p1 s9, $0x21  }
0x1b: {  	p1 =	por p1, p2  }
.Ltmp2:
0x1c: {  	_ = 	snop;
	(pc) =	sbr.rel @p1 .LBB2_9-.Ltmp2, $1  }
0x1d: {  	_ =	sdelay $0x3  }
0x1e: {  	s12 =	simm.s32 $0x1;
	_ =	swait.ge [sflag:s5], $0x80;
	s13 =	sand.u32 $0x1, s9  }
0x1f: {  	s15 =	simm.s32 $0x0;
	s12 =	simm.s32 @!p0 $0x0;
	[sflag:s5] =	ssyncset.done $0x0  }
0x20: {  	s14 =	sshll.u32 s13, $0xF;
	s13 =	sshll.u32 s13, $0x7;
	s12 =	sshll.u32 s12, $0xF  }
0x21: {  	[sflag:s5] =	ssyncadd.s32 $0xFFFFFF80;
	s14 =	sor.u32 $0x100, s14;
	s12 =	sor.u32 $0x100, s12  }
.LBB2_3:
0x22: {  	s16 =	sshll.u32 s15, $0x4  }
0x23: {  	s16 =	sand.u32 $0x3FFFFFF0, s16  }
0x24: {  	s16 =	sadd.s32 s16, s13  }
0x25: {  	v0 =	vld.msk [tilespmem:s16+$0x0 ss:$0x1], $0xffff;
	_ =	sdelay $0x4  }
0x26: {  	vm2 =	vgt.s32 v0, $0x0  }
0x27: {  	v0 =	vnsel vm2, $0x0, v0  }
0x28: {  	v0 =	vmin.u32 v0, $0xFFFF  }
0x29: {  	s31 =	sshll.u32 s15, $0xC;
	v1 =	vshll.u32 v0, $0x5;
	v0 =	vshll.u32 v0, $0x4  }
0x2a: {  	s16 =	sand.u32 $0x3FFFF000, s31;
	v1 =	vand.u32 $0x1FFF00, v1;
	v0 =	vand.u32 $0x70, v0  }
0x2b: {  	p1 =	por $0x1, $0x1;
	s17 =	simm.s32 $0x0;
	s16 =	sadd.s32 s16, s14;
	v0 =	vor.u32 v0, v1  }
.LBB2_4:
0x2c: {  	_ =	sdelay $0x1  }
0x2d: {  	s17 =	sshra.s32 s17, $0x2;
	p2 =	por p1, p1  }
.Ltmp3:
0x2e: {  	s17 =	sadd.s32 s17, s16;
	(pc) =	sbr.rel @p2 .LBB2_4-.Ltmp3, $4  }
0x2f: {  	[tilespmem:s17], [sflag:$0x1] =	stream.indirect_vreg.gather [hbm:s3], $0x80, v0, vm0, $0x38;
	[tilespmem:$0x10100] =	vst v63  }
0x30: {  	s17 =	sadd.s32 $0x800, s17  }
0x31: {  	[tilespmem:s17], [sflag:$0x1] =	stream.indirect_vreg.gather [hbm:s3], $0x80, v0, vm1, $0x38;
	[tilespmem:$0x10100] =	vst v63  }
0x32: {  	p1 =	por $0x0, $0x0;
	v0 =	vadd.s32 $0x80, v0;
	s17 =	simm.s32 $0x1000  }
0x33: {  	s15 =	sadd.s32 $0x1, s15  }
0x34: {  	p1 =	sne.s32 s15, $0x8  }
.Ltmp4:
0x35: {  	_ = 	snop;
	(pc) =	sbr.rel @p1 .LBB2_3-.Ltmp4, $1  }
0x36: {  	_ =	sdelay $0x3  }
0x37: {  	s13 =	sshll.u32 s11, $0x5  }
0x38: {  	s31 =	sshll.u32 s11, $0x4;
	s13 =	sand.u32 $0xFFFFFF00, s13  }
0x39: {  	_ =	swait.ge [sflag:s4], $0x8000;
	s11 =	sand.u32 $0x70, s31;
	s13 =	sadd.s32 s13, s2  }
0x3a: {  	s14 =	sadd.s32 $0x800, s12;
	[sflag:s4] =	ssyncset.done $0x0;
	s11 =	sadd.s32 s11, s13  }
0x3b: {  	[sflag:s4] =	ssyncadd.s32 $0xFFFF8000;
	s13 =	simm.s32 $0x100;
	s15 =	sadd.s32 $0x0, s11  }
.LBB2_7:
0x3c: {  	[hbm:s15] =	stream.linear.scatter [tilespmem:s12], [sflag:$0x3], $0x800, $0x38;
	[tilespmem:$0x10100] =	vst v63  }
0x3d: {  	s15 =	smov.u32 s13;
	s12 =	smov.u32 s14;
	p1 =	sne.s32 s13, $0xF00  }
.Ltmp5:
0x3e: {  	s13 =	sadd.s32 $0x100, s13;
	(pc) =	sbr.rel @p1 .LBB2_7-.Ltmp5, $2  }
0x3f: {  	_ =	sdelay $0x2  }
0x40: {  	s14 =	sadd.s32 $0x800, s14;
	s15 =	sadd.s32 s15, s11  }
.Ltmp6:
0x41: {  	_ = 	snop;
	(pc) =	sbr.rel .LBB2_8-.Ltmp6, $1  }
0x42: {  	_ =	sdelay $0x3  }
.LBB2_10:
0x43: {  	_ =	sfence.sel $0x180000  }
0x44: {  	s2 =	simm.s32 $0x2;
	[bflag:$0x0] =	sbarrier.arrive $0xFFFF  }
0x45: {  	s30 =	simm.s32 $0x3;
	[sflag:s2] =	ssyncpa.u1 $0x1  }
0x46: {  	s31 =	simm.s32 $0x1;
	[sflag:s30] =	ssyncpa.u1 $0x1  }
0x47: {  	[sflag:s31] =	ssyncpa.u1 $0x1  }
0x48: {  	p0 =	sne.s32 s1, $0x0;
	_ =	strace $0x9000005F  }
0x49: {  	s0 =	sadd.s32 @!p0 $0x100000, s0;
	[bflag:$0x2] =	sbarrier.arrive $0xFFFF  }
0x4a: {  	[sflag:s0] =	ssyncadd.tile.s32 @!p0 $0x1;
	_ =	shalt  }
.Lfunc_end2:
_tile_overlayer_lowered:
.L_overlay_start_2:
0x4b: {  	(tag) =	ssettag $0x2  }
0x4c: {  	s0 =	rddreg [dreg:$0x0];
	s2 =	stileid.u32  }
0x4d: {  	s1 =	rddreg [dreg:$0x1];
	p0 =	sne.s32 s2, $0x0  }
0x4e: {  	s3 =	rddreg [dreg:$0x2];
	[bflag:$0x3] =	sbarrier.arrive $0xFFFF;
	s2 =	simm.s32 @!p0 $0x1C01  }
0x4f: {  	[timem:s3], [sflag:s2] =	dma.local @!p0 [hbm:s0], s1  }
0x50: {  	s0 =	simm.s32 @!p0 $0x1  }
0x51: {  	_ =	swait.ge @!p0 [sflag:s0], s1  }
0x52: {  	s1 =	ssub.s32 @!p0 $0x0, s1;
	[sflag:s0] =	ssyncset.done @!p0 $0x0  }
0x53: {  	[sflag:s0] =	ssyncadd.s32 @!p0 s1  }
0x54: {  	[bflag:$0x3] =	sbarrier.arrive $0xFFFF  }
0x55: {  	_ =	shalt  }

// kernel: gather_offload_async_start.2
scs
__scs_entry_jumppad:
0x0: {  	(pc) =	sbr.rel $0x88, $3  }
0x1: {  	(tag) =	ssettag $0x0;
	lr =	simm.s32 $0x1  }
0x2: {  	[smem:$0x3F9F] =	sst lr;
	_ =	strace $0xD0000000  }
0x3: {  	_ = 	snop  }
0x4: {  	_ = 	snop  }
0x5: {  	_ = 	snop  }
0x6: {  	_ = 	snop  }
0x7: {  	_ = 	snop  }
__scs_overlays_trampoline_lowered:
0x8: {  	[smem:$0x3FAE] =	sst s0  }
0x9: {  	[smem:$0x3FAF] =	sst s1  }
0xa: {  	[smem:$0x3FB0] =	sst s2  }
0xb: {  	[smem:$0x3FB1] =	sst s3  }
0xc: {  	[smem:$0x3FB2] =	sst s4  }
0xd: {  	[smem:$0x3FB3] =	sst s5  }
0xe: {  	[smem:$0x3FB4] =	sst s6  }
0xf: {  	[smem:$0x3FB5] =	sst s7  }
0x10: {  	[smem:$0x3FB6] =	sst s8  }
0x11: {  	[smem:$0x3FB7] =	sst s9;
	s0 =	simm.s32 @!p0 $0x0  }
0x12: {  	s1 =	sld [smem:$0x3F9D];
	s0 =	simm.s32 @p0 $0x1  }
0x13: {  	[smem:$0x3FB8] =	sst s0;
	s0 =	simm.s32 @!p1 $0x0  }
0x14: {  	s2 =	sld [smem:$0x3F9C];
	s0 =	simm.s32 @p1 $0x1  }
0x15: {  	[smem:$0x3FB9] =	sst s0;
	s0 =	simm.s32 @!p2 $0x0  }
0x16: {  	s3 =	sld [smem:$0x3FDB];
	s0 =	simm.s32 @p2 $0x1  }
0x17: {  	s4 =	simm.s32 $0x1BF5;
	[smem:$0x3FBB] =	sst s0  }
0x18: {  	s0 =	sld [smem:$0x3F9E];
	_ =	swait.ge [sflag:s4], $0x0  }
0x19: {  	s7 =	sld [smem:$0x3F9F]  }
0x1a: {  	s8 =	sadd.s32 $0xFFFFE003, lr  }
0x1b: {  	s9 =	sadd.s32 $0xFFFFFEF7, lr;
	s5 =	simm.s32 $0xFFFFFFFF;
	p2 =	slt.u32 s8, $0xFFFFF086  }
0x1c: {  	p1 =	slt.u32 s9, $0xF7A;
	s5 =	simm.s32 @!p2 $0x0  }
0x1d: {  	s5 =	simm.s32 @p1 $0x1;
	p0 =	seq.s32 s7, s2  }
0x1e: {  	s7 =	smul.u32 @!p0 $0xF7A, s2;
	p2 =	seq.s32 @!p0 s5, $0x0  }
0x1f: {  	s9 =	smul.u32 $0xF7A, s1;
	s8 =	simm.s32 @!p0 $0x1BF5;
	p2 =	por !p2, p0  }
0x20: {  	[sflag:s8] =	ssyncset.s32 @!p0 $0xFFFFF086;
	s6 =	sadd.s32 @!p0 s3, s7;
	s7 =	simm.s32 @!p0 $0x108  }
0x21: {  	s3 =	sadd.s32 s3, s9;
	s6 =	sadd.s32 @!p0 $0x88, s6;
	s7 =	simm.s32 @p2 $0x1082  }
0x22: {  	[simem:s7], [sflag:s8] =	dma.local @!p0 [hbm:s6], $0xF7A  }
0x23: {  	s9 =	sor.u32 $0xD0000000, s2;
	s6 =	simm.s32 $0x108;
	_ =	swait.ge @!p0 [sflag:s8], $0x0  }
0x24: {  	s3 =	sadd.s32 $0x88, s3;
	s6 =	simm.s32 @!p1 $0x1082;
	[sflag:s4] =	ssyncset.s32 $0xFFFFF086  }
0x25: {  	[simem:s6], [sflag:s4] =	dma.local [hbm:s3], $0xF7A  }
0x26: {  	[smem:$0x3F9F] =	sst s1;
	(tag) =	ssettag s2;
	_ =	strace s9  }
0x27: {  	s1 =	sld [smem:$0x3FAF]  }
0x28: {  	s2 =	sld [smem:$0x3FB0]  }
0x29: {  	s4 =	sld [smem:$0x3FB2]  }
0x2a: {  	p0 =	seq.s32 s5, $0x0;
	s5 =	sld [smem:$0x3FB3]  }
0x2b: {  	s6 =	sld [smem:$0x3FB4]  }
0x2c: {  	s7 =	sld [smem:$0x3FB5]  }
0x2d: {  	s3 =	simm.s32 $0x108;
	s8 =	sld [smem:$0x3FB6]  }
0x2e: {  	s3 =	simm.s32 @!p0 $0x1082;
	s9 =	sld [smem:$0x3FB7]  }
0x2f: {  	lr =	sadd.s32 s0, s3;
	s0 =	sld [smem:$0x3FAE]  }
0x30: {  	s3 =	sld [smem:$0x3FB1]  }
0x31: {  	[smem:$0x3FBA] =	sst s10  }
0x32: {  	s10 =	sld [smem:$0x3FB8];
	_ =	sdelay $0x3  }
0x33: {  	p0 =	seq.s32 s10, $0x1;
	s10 =	sld [smem:$0x3FBA];
	_ =	sdelay $0x3  }
0x34: {  	[smem:$0x3FBA] =	sst s10  }
0x35: {  	s10 =	sld [smem:$0x3FB9];
	_ =	sdelay $0x3  }
0x36: {  	p1 =	seq.s32 s10, $0x1;
	s10 =	sld [smem:$0x3FBA];
	_ =	sdelay $0x3  }
0x37: {  	[smem:$0x3FBA] =	sst s10  }
0x38: {  	s10 =	sld [smem:$0x3FBB]  }
0x39: {  	_ = 	snop;
	(pc) =	sbr.ind lr, $3  }
0x3a: {  	_ = 	snop  }
0x3b: {  	_ = 	snop  }
0x3c: {  	p2 =	seq.s32 s10, $0x1;
	s10 =	sld [smem:$0x3FBA]  }
0x3d: {  	_ =	shalt  }
0x3e: {  	_ =	shalt  }
0x3f: {  	_ =	shalt  }
0x40: {  	_ =	shalt  }
0x41: {  	_ =	shalt  }
0x42: {  	_ =	shalt  }
0x43: {  	_ =	shalt  }
0x44: {  	_ =	shalt  }
0x45: {  	_ =	shalt  }
0x46: {  	_ =	shalt  }
0x47: {  	_ =	shalt  }
0x48: {  	_ =	shalt  }
0x49: {  	_ =	shalt  }
0x4a: {  	_ =	shalt  }
0x4b: {  	_ =	shalt  }
0x4c: {  	_ =	shalt  }
0x4d: {  	_ =	shalt  }
0x4e: {  	_ =	shalt  }
0x4f: {  	_ =	shalt  }
0x50: {  	_ =	shalt  }
0x51: {  	_ =	shalt  }
0x52: {  	_ =	shalt  }
0x53: {  	_ =	shalt  }
0x54: {  	_ =	shalt  }
0x55: {  	_ =	shalt  }
0x56: {  	_ =	shalt  }
0x57: {  	_ =	shalt  }
0x58: {  	_ =	shalt  }
0x59: {  	_ =	shalt  }
0x5a: {  	_ =	shalt  }
0x5b: {  	_ =	shalt  }
0x5c: {  	_ =	shalt  }
0x5d: {  	_ =	shalt  }
0x5e: {  	_ =	shalt  }
0x5f: {  	_ =	shalt  }
0x60: {  	_ =	shalt  }
0x61: {  	_ =	shalt  }
0x62: {  	_ =	shalt  }
0x63: {  	_ =	shalt  }
0x64: {  	_ =	shalt  }
0x65: {  	_ =	shalt  }
0x66: {  	_ =	shalt  }
0x67: {  	_ =	shalt  }
0x68: {  	_ =	shalt  }
0x69: {  	_ =	shalt  }
0x6a: {  	_ =	shalt  }
0x6b: {  	_ =	shalt  }
0x6c: {  	_ =	shalt  }
0x6d: {  	_ =	shalt  }
0x6e: {  	_ =	shalt  }
0x6f: {  	_ =	shalt  }
0x70: {  	_ =	shalt  }
0x71: {  	_ =	shalt  }
0x72: {  	_ =	shalt  }
0x73: {  	_ =	shalt  }
0x74: {  	_ =	shalt  }
0x75: {  	_ =	shalt  }
0x76: {  	_ =	shalt  }
0x77: {  	_ =	shalt  }
0x78: {  	_ =	shalt  }
0x79: {  	_ =	shalt  }
0x7a: {  	_ =	shalt  }
0x7b: {  	_ =	shalt  }
0x7c: {  	_ =	shalt  }
0x7d: {  	_ =	shalt  }
0x7e: {  	_ =	shalt  }
0x7f: {  	_ =	shalt  }
0x80: {  	_ =	shalt  }
0x81: {  	_ =	shalt  }
0x82: {  	_ =	shalt  }
0x83: {  	_ =	shalt  }
0x84: {  	_ =	shalt  }
0x85: {  	_ =	shalt  }
0x86: {  	_ =	shalt  }
0x87: {  	_ =	shalt  }
.Lfunc_end0:
.L_simem_size_0:
called_computation.3_lowered:
.L_overlay_start_0:
0x88: {  	s2 =	sld [smem:$0x3FD9]  }
0x89: {  	s3 =	sld [smem:$0x3FFE];
	_ =	sdelay $0x1  }
0x8a: {  	s1 =	srdreg.scid  }
0x8b: {  	s0 =	sand.u32 $0x1, s1  }
0x8c: {  	s17 =	sshll.u32 s0, $0xA;
	s2 =	sadd.s32 s3, s2  }
0x8d: {  	s2 =	sadd.s32 s2, s17  }
0x8e: {  	[smem:$0x3FC6] =	sst s2  }
0x8f: {  	_ = 	snop  }
0x90: {  	(tm) =	ssettm $0x1  }
0x91: {  	s18 =	sld [smem:$0x3FFB];
	_ =	sdelay $0x3  }
0x92: {  	_ =	strace s18  }
0x93: {  	s2 =	sld [smem:$0x3FFC];
	_ =	sdelay $0x3  }
0x94: {  	_ =	strace s2  }
0x95: {  	s2 =	sld [smem:$0x3FFD];
	_ =	sdelay $0x3  }
0x96: {  	_ =	strace s2  }
0x97: {  	_ =	strace $0x8FFFFFFF  }
0x98: {  	s19 =	sld [smem:$0x3FDB];
	_ =	sdelay $0x1  }
0x99: {  	s20 =	simm.s32 $_scs_section_size  }
0x9a: {  	s4 =	simm.s32 $_size__tile_overlayer_lowered;
	s5 =	simm.s32 $_tile_overlayer_lowered  }
0x9b: {  	s6 =	simm.s32 $0x1BFF;
	s21 =	sshll.u32 s5, $0x1;
	s3 =	sadd.s32 s20, s19  }
0x9c: {  	s22 =	simm.s32 $0x0;
	s4 =	sshll.u32 s4, $0x1;
	s5 =	sadd.s32 s21, s3  }
0x9d: {  	[timem:s22], [sflag:s6] =	dma.local [hbm:s5], s4  }
0x9e: {  	_ =	swait.ge [sflag:s6], s4  }
0x9f: {  	s4 =	ssub.s32 $0x0, s4;
	[sflag:s6] =	ssyncset.done $0x0  }
0xa0: {  	[sflag:s6] =	ssyncadd.s32 s4;
	_ =	sdelay $0x1  }
0xa1: {  	s23 =	simm.s32 $0x1B8B  }
0xa2: {  	_ =	swait.ge [sflag:s23], $0x1  }
0xa3: {  	[sflag:s23] =	ssyncset.done $0x0  }
0xa4: {  	[sflag:s23] =	ssyncadd.s32 $0xFFFFFFFF  }
0xa5: {  	s4 =	sld [smem:$0x0]  }
0xa6: {  	s5 =	sand.u32 $0xFFFFFFFE, s1  }
0xa7: {  	p0 =	sne.s32 s1, s5  }
0xa8: {  	s5 =	sshll.u32 @p0 s5, $0xE  }
0xa9: {  	s5 =	sadd.s32 @p0 $0x11B8D, s5;
	s6 =	sshll.u32 @p0 s4, $0x11  }
0xaa: {  	s5 =	sor.u32 @p0 s6, s5  }
0xab: {  	[sflag:s5] =	ssyncadd.remote.s32 @p0 $0x1;
	_ =	sdelay $0x1  }
0xac: {  	s5 =	simm.s32 @p0 $0x1B8D  }
0xad: {  	_ =	swait.eq @p0 [sflag:s5], $0x1  }
0xae: {  	[sflag:s5] =	ssyncadd.s32 @p0 $0xFFFFFFFF  }
0xaf: {  	s6 =	sshll.u32 @!p0 s1, $0xE  }
0xb0: {  	s6 =	sor.u32 @!p0 $0x4000, s6;
	s5 =	simm.s32 @!p0 $0x1B8D  }
0xb1: {  	s4 =	sshll.u32 @!p0 s4, $0x11;
	s6 =	sadd.s32 @!p0 $0x11B8D, s6;
	_ =	swait.eq @!p0 [sflag:s5], $0x1  }
0xb2: {  	s4 =	sor.u32 @!p0 s4, s6;
	[sflag:s5] =	ssyncadd.s32 @!p0 $0xFFFFFFFF  }
0xb3: {  	s25 =	simm.s32 $0x1B8E;
	s24 =	sld [smem:$0x3FFE];
	[sflag:s4] =	ssyncadd.remote.s32 @!p0 $0x1  }
0xb4: {  	s26 =	simm.s32 $execute0_lowered;
	[smem:$0x3FD2] =	sst s25  }
0xb5: {  	s5 =	sshll.u32 s26, $0x1;
	_ =	strace $0x80000058;
	[dreg:$0x1] =	wrdreg $0xFFFFFFFF  }
0xb6: {  	s28 =	simm.s32 $_size_execute0_lowered;
	s3 =	sadd.s32 s3, s5;
	[dreg:$0x0] =	wrdreg $0x0  }
0xb7: {  	s5 =	sshll.u32 s28, $0x1;
	[dreg:$0x2] =	wrdreg s3  }
0xb8: {  	[dreg:$0x3] =	wrdreg s5  }
0xb9: {  	[dreg:$0x4] =	wrdreg $0xC0  }
0xba: {  	_ =	task [dreg:s22], $0x5FFFF  }
0xbb: {  	[dreg:$0x1] =	wrdreg $0xFFFFFFFF  }
0xbc: {  	[dreg:$0x0] =	wrdreg $0x60  }
0xbd: {  	[dreg:$0x2] =	wrdreg s24  }
0xbe: {  	[dreg:$0x3] =	wrdreg $0xB  }
0xbf: {  	_ =	task.clear_ibuf [dreg:s22], $0x4FFFF;
	_ =	strace $0x90000058  }
0xc0: {  	s29 =	simm.s32 $0xB;
	_ =	strace $0x8000005A  }
0xc1: {  	_ =	swait.ge [sflag:s29], $0x1  }
0xc2: {  	[sflag:s29] =	ssyncadd.s32 $0xFFFFFFFF  }
0xc3: {  	_ =	strace $0x9000005A  }
0xc4: {  	_ =	sfence  }
0xc5: {  	s30 =	sld [smem:$0x0];
	_ =	sdelay $0x2  }
0xc6: {  	s31 =	sshll.u32 s1, $0xD;
	s1 =	sshrl.u32 s1, $0x2  }
0xc7: {  	s4 =	sand.u32 $0x4000, s31;
	s1 =	sadd.s32 s1, s30  }
0xc8: {  	s0 =	sor.u32 s4, s0;
	s1 =	sshll.u32 s1, $0x11  }
0xc9: {  	s0 =	sor.u32 s1, s0  }
0xca: {  	s0 =	sadd.s32 $0x8F2B, s0  }
0xcb: {  	[sflag:s0] =	ssyncadd.remote.s32 $0x1  }
0xcc: {  	_ =	sfence.sel $0xFFFF  }
0xcd: {  	[dreg:$0x0] =	wrdreg $0xFFFFFFFF;
	(pc) =	sbr.abs _section_cstart, $3  }
0xce: {  	[dreg:$0x1] =	wrdreg $0xFFFFFFFF  }
0xcf: {  	_ =	task.clear_ibuf [dreg:s22], $0x2FFFF;
	_ =	strace $0x9FFFFFFF  }
0xd0: {  	(tm) =	ssettm $0x7FFFFFFF  }
0xd1: {  	_ =	shalt  }
tec
execute0_lowered:
.L_overlay_start_1:
0x0: {  	(tag) =	ssettag $0x1  }
0x1: {  	s7 =	rddreg [dreg:$0x0]  }
0x2: {  	s0 =	rddreg [dreg:$0x1];
	_ =	strace $0x80000059  }
0x3: {  	s1 =	srdreg.scid;
	s4 =	simm.s32 $0x1;
	s9 =	simm.s32 $0x3  }
0x4: {  	s11 =	simm.s32 $0x0;
	p0 =	por $0x0, $0x0;
	s5 =	sshll.u32 s1, $0x4  }
.Ltmp0:
0x5: {  	s1 =	stileid.u32;
	s5 =	sand.u32 $0x10, s5;
	(pc) =	sbr.rel .LBB2_1-.Ltmp0, $4  }
0x6: {  	s2 =	sadd.s32 $0xA47E00, s7;
	s3 =	sadd.s32 $0xA0FE00, s7;
	s6 =	sor.u32 s1, s5  }
0x7: {  	[sflag:s4] =	ssyncpa.u1 $0x0;
	s5 =	simm.s32 $0x2;
	s6 =	sshll.u32 s6, $0xC  }
0x8: {  	s7 =	sadd.s32 $0x1047E00, s7;
	[sflag:s5] =	ssyncpa.u1 $0x0;
	s8 =	sadd.s32 $0x1000, s6  }
0x9: {  	vm0 =	vmmov $0xff;
	vm1 =	vcmask $0x3F20;
	[sflag:s9] =	ssyncpa.u1 $0x0;
	s10 =	smov.u32 s6;
	s9 =	simm.s32 $0x0  }
.LBB2_8:
0xa: {  	[hbm:s15] =	stream.linear.scatter [tilespmem:s12], [sflag:$0x3], $0x800, $0x38;
	[tilespmem:$0x10100] =	vst v63  }
.LBB2_9:
0xb: {  	p1 =	slt.u32 s9, $0x2;
	s11 =	sadd.s32 $0x80, s10  }
0xc: {  	s13 =	smov.u32 s6;
	s9 =	sadd.s32 $0x1, s9;
	p2 =	slt.s32 s11, s8  }
0xd: {  	s13 =	smov.u32 @p2 s11;
	p2 =	sne.s32 s9, $0x22  }
.Ltmp1:
0xe: {  	_ = 	snop;
	(pc) =	sbr.rel @!p2 .LBB2_10-.Ltmp1, $4  }
0xf: {  	s12 =	simm.s32 @!p1 $0x3  }
0x10: {  	_ =	swait.ge @!p1 [sflag:s12], $0x8000  }
0x11: {  	p0 =	por !p0, !p0;
	[sflag:s12] =	ssyncset.done @!p1 $0x0  }
0x12: {  	s11 =	smov.u32 s10;
	s10 =	smov.u32 s13;
	[sflag:s12] =	ssyncadd.s32 @!p1 $0xFFFF8000  }
.LBB2_1:
0x13: {  	p1 =	sgt.u32 s9, $0x1F  }
0x14: {  	s12 =	sxor.u32 @!p1 $0xFFFFFFFF, s9  }
0x15: {  	s13 =	sshrl.u32 @!p1 s10, $0x3;
	s12 =	sshll.u32 @!p1 s12, $0x7  }
0x16: {  	s14 =	sand.u32 @!p1 $0x7, s10;
	s13 =	sadd.s32 @!p1 s3, s13;
	s12 =	sand.u32 @!p1 $0x80, s12  }
0x17: {  	[tilespmem:s12], [sflag:$0x2] =	stream.linear.gather @!p1 [hbm4b:s13+s14], $0x80, $0x38;
	[tilespmem:$0x10100] =	vst v63  }
0x18: {  	p1 =	seq.s32 s9, $0x0  }
0x19: {  	p2 =	seq.s32 @!p1 s9, $0x21  }
0x1a: {  	p1 =	por p1, p2  }
.Ltmp2:
0x1b: {  	_ = 	snop;
	(pc) =	sbr.rel @p1 .LBB2_9-.Ltmp2, $1  }
0x1c: {  	_ =	sdelay $0x3  }
0x1d: {  	s12 =	simm.s32 $0x1;
	_ =	swait.ge [sflag:s5], $0x80;
	s13 =	sand.u32 $0x1, s9  }
0x1e: {  	s15 =	simm.s32 $0x0;
	s12 =	simm.s32 @!p0 $0x0;
	[sflag:s5] =	ssyncset.done $0x0  }
0x1f: {  	s14 =	sshll.u32 s13, $0xF;
	s13 =	sshll.u32 s13, $0x7;
	s12 =	sshll.u32 s12, $0xF  }
0x20: {  	[sflag:s5] =	ssyncadd.s32 $0xFFFFFF80;
	s14 =	sor.u32 $0x100, s14;
	s12 =	sor.u32 $0x100, s12  }
.LBB2_3:
0x21: {  	s16 =	sshll.u32 s15, $0x4  }
0x22: {  	s16 =	sand.u32 $0x3FFFFFF0, s16  }
0x23: {  	s16 =	sadd.s32 s16, s13  }
0x24: {  	v0 =	vld.msk [tilespmem:s16+$0x0 ss:$0x1], $0xffff;
	_ =	sdelay $0x4  }
0x25: {  	vm2 =	vgt.s32 v0, $0x0  }
0x26: {  	v0 =	vnsel vm2, $0x0, v0  }
0x27: {  	v0 =	vmin.u32 v0, $0xFFFF  }
0x28: {  	s31 =	sshll.u32 s15, $0xC;
	v1 =	vshll.u32 v0, $0x5;
	v0 =	vshll.u32 v0, $0x4  }
0x29: {  	s16 =	sand.u32 $0x3FFFF000, s31;
	v1 =	vand.u32 $0x1FFF00, v1;
	v0 =	vand.u32 $0x70, v0  }
0x2a: {  	p1 =	por $0x1, $0x1;
	s17 =	simm.s32 $0x0;
	s16 =	sadd.s32 s16, s14;
	v0 =	vor.u32 v0, v1  }
.LBB2_4:
0x2b: {  	_ =	sdelay $0x1  }
0x2c: {  	s17 =	sshra.s32 s17, $0x2;
	p2 =	por p1, p1  }
.Ltmp3:
0x2d: {  	s17 =	sadd.s32 s17, s16;
	(pc) =	sbr.rel @p2 .LBB2_4-.Ltmp3, $4  }
0x2e: {  	[tilespmem:s17], [sflag:$0x1] =	stream.indirect_vreg.gather [hbm:s2], $0x80, v0, vm0, $0x38;
	[tilespmem:$0x10100] =	vst v63  }
0x2f: {  	s17 =	sadd.s32 $0x800, s17  }
0x30: {  	[tilespmem:s17], [sflag:$0x1] =	stream.indirect_vreg.gather [hbm:s2], $0x80, v0, vm1, $0x38;
	[tilespmem:$0x10100] =	vst v63  }
0x31: {  	p1 =	por $0x0, $0x0;
	v0 =	vadd.s32 $0x80, v0;
	s17 =	simm.s32 $0x1000  }
0x32: {  	s15 =	sadd.s32 $0x1, s15  }
0x33: {  	p1 =	sne.s32 s15, $0x8  }
.Ltmp4:
0x34: {  	_ = 	snop;
	(pc) =	sbr.rel @p1 .LBB2_3-.Ltmp4, $1  }
0x35: {  	_ =	sdelay $0x3  }
0x36: {  	s13 =	sshll.u32 s11, $0x5  }
0x37: {  	s31 =	sshll.u32 s11, $0x4;
	s13 =	sand.u32 $0xFFFFFF00, s13  }
0x38: {  	_ =	swait.ge [sflag:s4], $0x8000;
	s11 =	sand.u32 $0x70, s31;
	s13 =	sadd.s32 s13, s7  }
0x39: {  	s14 =	sadd.s32 $0x800, s12;
	[sflag:s4] =	ssyncset.done $0x0;
	s11 =	sadd.s32 s11, s13  }
0x3a: {  	[sflag:s4] =	ssyncadd.s32 $0xFFFF8000;
	s13 =	simm.s32 $0x100;
	s15 =	sadd.s32 $0x0, s11  }
.LBB2_7:
0x3b: {  	[hbm:s15] =	stream.linear.scatter [tilespmem:s12], [sflag:$0x3], $0x800, $0x38;
	[tilespmem:$0x10100] =	vst v63  }
0x3c: {  	s15 =	smov.u32 s13;
	s12 =	smov.u32 s14;
	p1 =	sne.s32 s13, $0xF00  }
.Ltmp5:
0x3d: {  	s13 =	sadd.s32 $0x100, s13;
	(pc) =	sbr.rel @p1 .LBB2_7-.Ltmp5, $2  }
0x3e: {  	_ =	sdelay $0x2  }
0x3f: {  	s14 =	sadd.s32 $0x800, s14;
	s15 =	sadd.s32 s15, s11  }
.Ltmp6:
0x40: {  	_ = 	snop;
	(pc) =	sbr.rel .LBB2_8-.Ltmp6, $1  }
0x41: {  	_ =	sdelay $0x3  }
.LBB2_10:
0x42: {  	_ =	sfence.sel $0x180000  }
0x43: {  	s2 =	simm.s32 $0x2;
	[bflag:$0x0] =	sbarrier.arrive $0xFFFF  }
0x44: {  	s30 =	simm.s32 $0x3;
	[sflag:s2] =	ssyncpa.u1 $0x1  }
0x45: {  	s31 =	simm.s32 $0x1;
	[sflag:s30] =	ssyncpa.u1 $0x1  }
0x46: {  	[sflag:s31] =	ssyncpa.u1 $0x1  }
0x47: {  	p0 =	sne.s32 s1, $0x0;
	_ =	strace $0x90000059  }
0x48: {  	s0 =	sadd.s32 @!p0 $0x100000, s0;
	[bflag:$0x2] =	sbarrier.arrive $0xFFFF  }
0x49: {  	[sflag:s0] =	ssyncadd.tile.s32 @!p0 $0x1;
	_ =	shalt  }
.Lfunc_end2:
_tile_overlayer_lowered:
.L_overlay_start_2:
0x4a: {  	(tag) =	ssettag $0x2  }
0x4b: {  	s0 =	rddreg [dreg:$0x0];
	s2 =	stileid.u32  }
0x4c: {  	s1 =	rddreg [dreg:$0x1];
	p0 =	sne.s32 s2, $0x0  }
0x4d: {  	s3 =	rddreg [dreg:$0x2];
	[bflag:$0x3] =	sbarrier.arrive $0xFFFF;
	s2 =	simm.s32 @!p0 $0x1C01  }
0x4e: {  	[timem:s3], [sflag:s2] =	dma.local @!p0 [hbm:s0], s1  }
0x4f: {  	s0 =	simm.s32 @!p0 $0x1  }
0x50: {  	_ =	swait.ge @!p0 [sflag:s0], s1  }
0x51: {  	s1 =	ssub.s32 @!p0 $0x0, s1;
	[sflag:s0] =	ssyncset.done @!p0 $0x0  }
0x52: {  	[sflag:s0] =	ssyncadd.s32 @!p0 s1  }
0x53: {  	[bflag:$0x3] =	sbarrier.arrive $0xFFFF  }
0x54: {  	_ =	shalt  }

// kernel: gather_offload_async_start.3
scs
__scs_entry_jumppad:
0x0: {  	(pc) =	sbr.rel $0x88, $3  }
0x1: {  	(tag) =	ssettag $0x0;
	lr =	simm.s32 $0x1  }
0x2: {  	[smem:$0x3F9F] =	sst lr;
	_ =	strace $0xD0000000  }
0x3: {  	_ = 	snop  }
0x4: {  	_ = 	snop  }
0x5: {  	_ = 	snop  }
0x6: {  	_ = 	snop  }
0x7: {  	_ = 	snop  }
__scs_overlays_trampoline_lowered:
0x8: {  	[smem:$0x3FAE] =	sst s0  }
0x9: {  	[smem:$0x3FAF] =	sst s1  }
0xa: {  	[smem:$0x3FB0] =	sst s2  }
0xb: {  	[smem:$0x3FB1] =	sst s3  }
0xc: {  	[smem:$0x3FB2] =	sst s4  }
0xd: {  	[smem:$0x3FB3] =	sst s5  }
0xe: {  	[smem:$0x3FB4] =	sst s6  }
0xf: {  	[smem:$0x3FB5] =	sst s7  }
0x10: {  	[smem:$0x3FB6] =	sst s8  }
0x11: {  	[smem:$0x3FB7] =	sst s9;
	s0 =	simm.s32 @!p0 $0x0  }
0x12: {  	s1 =	sld [smem:$0x3F9D];
	s0 =	simm.s32 @p0 $0x1  }
0x13: {  	[smem:$0x3FB8] =	sst s0;
	s0 =	simm.s32 @!p1 $0x0  }
0x14: {  	s2 =	sld [smem:$0x3F9C];
	s0 =	simm.s32 @p1 $0x1  }
0x15: {  	[smem:$0x3FB9] =	sst s0;
	s0 =	simm.s32 @!p2 $0x0  }
0x16: {  	s3 =	sld [smem:$0x3FDB];
	s0 =	simm.s32 @p2 $0x1  }
0x17: {  	s4 =	simm.s32 $0x1BF5;
	[smem:$0x3FBB] =	sst s0  }
0x18: {  	s0 =	sld [smem:$0x3F9E];
	_ =	swait.ge [sflag:s4], $0x0  }
0x19: {  	s7 =	sld [smem:$0x3F9F]  }
0x1a: {  	s8 =	sadd.s32 $0xFFFFE003, lr  }
0x1b: {  	s9 =	sadd.s32 $0xFFFFFEF7, lr;
	s5 =	simm.s32 $0xFFFFFFFF;
	p2 =	slt.u32 s8, $0xFFFFF086  }
0x1c: {  	p1 =	slt.u32 s9, $0xF7A;
	s5 =	simm.s32 @!p2 $0x0  }
0x1d: {  	s5 =	simm.s32 @p1 $0x1;
	p0 =	seq.s32 s7, s2  }
0x1e: {  	s7 =	smul.u32 @!p0 $0xF7A, s2;
	p2 =	seq.s32 @!p0 s5, $0x0  }
0x1f: {  	s9 =	smul.u32 $0xF7A, s1;
	s8 =	simm.s32 @!p0 $0x1BF5;
	p2 =	por !p2, p0  }
0x20: {  	[sflag:s8] =	ssyncset.s32 @!p0 $0xFFFFF086;
	s6 =	sadd.s32 @!p0 s3, s7;
	s7 =	simm.s32 @!p0 $0x108  }
0x21: {  	s3 =	sadd.s32 s3, s9;
	s6 =	sadd.s32 @!p0 $0x88, s6;
	s7 =	simm.s32 @p2 $0x1082  }
0x22: {  	[simem:s7], [sflag:s8] =	dma.local @!p0 [hbm:s6], $0xF7A  }
0x23: {  	s9 =	sor.u32 $0xD0000000, s2;
	s6 =	simm.s32 $0x108;
	_ =	swait.ge @!p0 [sflag:s8], $0x0  }
0x24: {  	s3 =	sadd.s32 $0x88, s3;
	s6 =	simm.s32 @!p1 $0x1082;
	[sflag:s4] =	ssyncset.s32 $0xFFFFF086  }
0x25: {  	[simem:s6], [sflag:s4] =	dma.local [hbm:s3], $0xF7A  }
0x26: {  	[smem:$0x3F9F] =	sst s1;
	(tag) =	ssettag s2;
	_ =	strace s9  }
0x27: {  	s1 =	sld [smem:$0x3FAF]  }
0x28: {  	s2 =	sld [smem:$0x3FB0]  }
0x29: {  	s4 =	sld [smem:$0x3FB2]  }
0x2a: {  	p0 =	seq.s32 s5, $0x0;
	s5 =	sld [smem:$0x3FB3]  }
0x2b: {  	s6 =	sld [smem:$0x3FB4]  }
0x2c: {  	s7 =	sld [smem:$0x3FB5]  }
0x2d: {  	s3 =	simm.s32 $0x108;
	s8 =	sld [smem:$0x3FB6]  }
0x2e: {  	s3 =	simm.s32 @!p0 $0x1082;
	s9 =	sld [smem:$0x3FB7]  }
0x2f: {  	lr =	sadd.s32 s0, s3;
	s0 =	sld [smem:$0x3FAE]  }
0x30: {  	s3 =	sld [smem:$0x3FB1]  }
0x31: {  	[smem:$0x3FBA] =	sst s10  }
0x32: {  	s10 =	sld [smem:$0x3FB8];
	_ =	sdelay $0x3  }
0x33: {  	p0 =	seq.s32 s10, $0x1;
	s10 =	sld [smem:$0x3FBA];
	_ =	sdelay $0x3  }
0x34: {  	[smem:$0x3FBA] =	sst s10  }
0x35: {  	s10 =	sld [smem:$0x3FB9];
	_ =	sdelay $0x3  }
0x36: {  	p1 =	seq.s32 s10, $0x1;
	s10 =	sld [smem:$0x3FBA];
	_ =	sdelay $0x3  }
0x37: {  	[smem:$0x3FBA] =	sst s10  }
0x38: {  	s10 =	sld [smem:$0x3FBB]  }
0x39: {  	_ = 	snop;
	(pc) =	sbr.ind lr, $3  }
0x3a: {  	_ = 	snop  }
0x3b: {  	_ = 	snop  }
0x3c: {  	p2 =	seq.s32 s10, $0x1;
	s10 =	sld [smem:$0x3FBA]  }
0x3d: {  	_ =	shalt  }
0x3e: {  	_ =	shalt  }
0x3f: {  	_ =	shalt  }
0x40: {  	_ =	shalt  }
0x41: {  	_ =	shalt  }
0x42: {  	_ =	shalt  }
0x43: {  	_ =	shalt  }
0x44: {  	_ =	shalt  }
0x45: {  	_ =	shalt  }
0x46: {  	_ =	shalt  }
0x47: {  	_ =	shalt  }
0x48: {  	_ =	shalt  }
0x49: {  	_ =	shalt  }
0x4a: {  	_ =	shalt  }
0x4b: {  	_ =	shalt  }
0x4c: {  	_ =	shalt  }
0x4d: {  	_ =	shalt  }
0x4e: {  	_ =	shalt  }
0x4f: {  	_ =	shalt  }
0x50: {  	_ =	shalt  }
0x51: {  	_ =	shalt  }
0x52: {  	_ =	shalt  }
0x53: {  	_ =	shalt  }
0x54: {  	_ =	shalt  }
0x55: {  	_ =	shalt  }
0x56: {  	_ =	shalt  }
0x57: {  	_ =	shalt  }
0x58: {  	_ =	shalt  }
0x59: {  	_ =	shalt  }
0x5a: {  	_ =	shalt  }
0x5b: {  	_ =	shalt  }
0x5c: {  	_ =	shalt  }
0x5d: {  	_ =	shalt  }
0x5e: {  	_ =	shalt  }
0x5f: {  	_ =	shalt  }
0x60: {  	_ =	shalt  }
0x61: {  	_ =	shalt  }
0x62: {  	_ =	shalt  }
0x63: {  	_ =	shalt  }
0x64: {  	_ =	shalt  }
0x65: {  	_ =	shalt  }
0x66: {  	_ =	shalt  }
0x67: {  	_ =	shalt  }
0x68: {  	_ =	shalt  }
0x69: {  	_ =	shalt  }
0x6a: {  	_ =	shalt  }
0x6b: {  	_ =	shalt  }
0x6c: {  	_ =	shalt  }
0x6d: {  	_ =	shalt  }
0x6e: {  	_ =	shalt  }
0x6f: {  	_ =	shalt  }
0x70: {  	_ =	shalt  }
0x71: {  	_ =	shalt  }
0x72: {  	_ =	shalt  }
0x73: {  	_ =	shalt  }
0x74: {  	_ =	shalt  }
0x75: {  	_ =	shalt  }
0x76: {  	_ =	shalt  }
0x77: {  	_ =	shalt  }
0x78: {  	_ =	shalt  }
0x79: {  	_ =	shalt  }
0x7a: {  	_ =	shalt  }
0x7b: {  	_ =	shalt  }
0x7c: {  	_ =	shalt  }
0x7d: {  	_ =	shalt  }
0x7e: {  	_ =	shalt  }
0x7f: {  	_ =	shalt  }
0x80: {  	_ =	shalt  }
0x81: {  	_ =	shalt  }
0x82: {  	_ =	shalt  }
0x83: {  	_ =	shalt  }
0x84: {  	_ =	shalt  }
0x85: {  	_ =	shalt  }
0x86: {  	_ =	shalt  }
0x87: {  	_ =	shalt  }
.Lfunc_end0:
.L_simem_size_0:
called_computation.4_lowered:
.L_overlay_start_0:
0x88: {  	s2 =	sld [smem:$0x3FD9]  }
0x89: {  	s3 =	sld [smem:$0x3FFE];
	_ =	sdelay $0x1  }
0x8a: {  	s1 =	srdreg.scid  }
0x8b: {  	s0 =	sand.u32 $0x1, s1  }
0x8c: {  	s16 =	sshll.u32 s0, $0xA;
	s2 =	sadd.s32 s3, s2  }
0x8d: {  	s2 =	sadd.s32 s2, s16  }
0x8e: {  	[smem:$0x3FC6] =	sst s2  }
0x8f: {  	_ = 	snop  }
0x90: {  	(tm) =	ssettm $0x1  }
0x91: {  	s17 =	sld [smem:$0x3FFB];
	_ =	sdelay $0x3  }
0x92: {  	_ =	strace s17  }
0x93: {  	s2 =	sld [smem:$0x3FFC];
	_ =	sdelay $0x3  }
0x94: {  	_ =	strace s2  }
0x95: {  	s2 =	sld [smem:$0x3FFD];
	_ =	sdelay $0x3  }
0x96: {  	_ =	strace s2  }
0x97: {  	_ =	strace $0x8FFFFFFF  }
0x98: {  	s18 =	sld [smem:$0x3FDB];
	_ =	sdelay $0x1  }
0x99: {  	s19 =	simm.s32 $_scs_section_size  }
0x9a: {  	s4 =	simm.s32 $_size__tile_overlayer_lowered;
	s5 =	simm.s32 $_tile_overlayer_lowered  }
0x9b: {  	s22 =	simm.s32 $0x1BFF;
	s21 =	sshll.u32 s5, $0x1;
	s2 =	sadd.s32 s19, s18  }
0x9c: {  	s6 =	simm.s32 $0x0;
	s20 =	sshll.u32 s4, $0x1;
	s4 =	sadd.s32 s21, s2  }
0x9d: {  	[timem:s6], [sflag:s22] =	dma.local [hbm:s4], s20  }
0x9e: {  	_ =	swait.ge [sflag:s22], s20  }
0x9f: {  	s3 =	ssub.s32 $0x0, s20;
	[sflag:s22] =	ssyncset.done $0x0  }
0xa0: {  	[sflag:s22] =	ssyncadd.s32 s3;
	_ =	sdelay $0x1  }
0xa1: {  	s23 =	simm.s32 $0x1B8B  }
0xa2: {  	_ =	swait.ge [sflag:s23], $0x1  }
0xa3: {  	[sflag:s23] =	ssyncset.done $0x0  }
0xa4: {  	s25 =	simm.s32 $0x1B8E;
	s24 =	sld [smem:$0x3FFE];
	[sflag:s23] =	ssyncadd.s32 $0xFFFFFFFF  }
0xa5: {  	s26 =	simm.s32 $execute0_lowered;
	[smem:$0x3FD2] =	sst s25  }
0xa6: {  	s4 =	sshll.u32 s26, $0x1;
	_ =	strace $0x80000055;
	[dreg:$0x1] =	wrdreg $0xFFFFFFFF  }
0xa7: {  	s28 =	simm.s32 $_size_execute0_lowered;
	s2 =	sadd.s32 s2, s4;
	[dreg:$0x0] =	wrdreg $0x0  }
0xa8: {  	s4 =	sshll.u32 s28, $0x1;
	[dreg:$0x2] =	wrdreg s2  }
0xa9: {  	[dreg:$0x3] =	wrdreg s4  }
0xaa: {  	[dreg:$0x4] =	wrdreg $0xC0  }
0xab: {  	_ =	task [dreg:s6], $0x5FFFF  }
0xac: {  	[dreg:$0x1] =	wrdreg $0xFFFFFFFF  }
0xad: {  	[dreg:$0x0] =	wrdreg $0x60  }
0xae: {  	[dreg:$0x2] =	wrdreg s24  }
0xaf: {  	[dreg:$0x3] =	wrdreg $0xC  }
0xb0: {  	_ =	task.clear_ibuf [dreg:s6], $0x4FFFF;
	_ =	strace $0x90000055  }
0xb1: {  	s29 =	simm.s32 $0xC;
	_ =	strace $0x80000057  }
0xb2: {  	_ =	swait.ge [sflag:s29], $0x1  }
0xb3: {  	[sflag:s29] =	ssyncadd.s32 $0xFFFFFFFF  }
0xb4: {  	_ =	strace $0x90000057  }
0xb5: {  	_ =	sfence  }
0xb6: {  	s30 =	sld [smem:$0x0];
	_ =	sdelay $0x2  }
0xb7: {  	s31 =	sshll.u32 s1, $0xD;
	s1 =	sshrl.u32 s1, $0x2  }
0xb8: {  	s3 =	sand.u32 $0x4000, s31;
	s1 =	sadd.s32 s1, s30  }
0xb9: {  	s0 =	sor.u32 s3, s0;
	s1 =	sshll.u32 s1, $0x11  }
0xba: {  	s0 =	sor.u32 s1, s0  }
0xbb: {  	s0 =	sadd.s32 $0x8F2B, s0  }
0xbc: {  	[sflag:s0] =	ssyncadd.remote.s32 $0x1  }
0xbd: {  	_ =	sfence.sel $0xFFFF  }
0xbe: {  	[dreg:$0x0] =	wrdreg $0xFFFFFFFF;
	(pc) =	sbr.abs _section_cstart, $3  }
0xbf: {  	[dreg:$0x1] =	wrdreg $0xFFFFFFFF  }
0xc0: {  	_ =	task.clear_ibuf [dreg:s6], $0x2FFFF;
	_ =	strace $0x9FFFFFFF  }
0xc1: {  	(tm) =	ssettm $0x7FFFFFFF  }
tec
execute0_lowered:
.L_overlay_start_1:
0x0: {  	(tag) =	ssettag $0x1  }
0x1: {  	s7 =	rddreg [dreg:$0x0]  }
0x2: {  	s0 =	rddreg [dreg:$0x1];
	_ =	strace $0x80000056  }
0x3: {  	s1 =	srdreg.scid;
	s4 =	simm.s32 $0x1;
	s9 =	simm.s32 $0x3  }
0x4: {  	s11 =	simm.s32 $0x0;
	p0 =	por $0x0, $0x0;
	s5 =	sshll.u32 s1, $0x4  }
.Ltmp0:
0x5: {  	s1 =	stileid.u32;
	s5 =	sand.u32 $0x10, s5;
	(pc) =	sbr.rel .LBB2_1-.Ltmp0, $4  }
0x6: {  	s2 =	sadd.s32 $0xA47E00, s7;
	s3 =	sadd.s32 $0xA0BE00, s7;
	s6 =	sor.u32 s1, s5  }
0x7: {  	[sflag:s4] =	ssyncpa.u1 $0x0;
	s5 =	simm.s32 $0x2;
	s6 =	sshll.u32 s6, $0xC  }
0x8: {  	s7 =	sadd.s32 $0xC47E00, s7;
	[sflag:s5] =	ssyncpa.u1 $0x0;
	s8 =	sadd.s32 $0x1000, s6  }
0x9: {  	vm0 =	vmmov $0xff;
	vm1 =	vcmask $0x3F20;
	[sflag:s9] =	ssyncpa.u1 $0x0;
	s10 =	smov.u32 s6;
	s9 =	simm.s32 $0x0  }
.LBB2_8:
0xa: {  	[hbm:s15] =	stream.linear.scatter [tilespmem:s12], [sflag:$0x3], $0x800, $0x38;
	[tilespmem:$0x10100] =	vst v63  }
.LBB2_9:
0xb: {  	p1 =	slt.u32 s9, $0x2;
	s11 =	sadd.s32 $0x80, s10  }
0xc: {  	s13 =	smov.u32 s6;
	s9 =	sadd.s32 $0x1, s9;
	p2 =	slt.s32 s11, s8  }
0xd: {  	s13 =	smov.u32 @p2 s11;
	p2 =	sne.s32 s9, $0x22  }
.Ltmp1:
0xe: {  	_ = 	snop;
	(pc) =	sbr.rel @!p2 .LBB2_10-.Ltmp1, $4  }
0xf: {  	s12 =	simm.s32 @!p1 $0x3  }
0x10: {  	_ =	swait.ge @!p1 [sflag:s12], $0x8000  }
0x11: {  	p0 =	por !p0, !p0;
	[sflag:s12] =	ssyncset.done @!p1 $0x0  }
0x12: {  	s11 =	smov.u32 s10;
	s10 =	smov.u32 s13;
	[sflag:s12] =	ssyncadd.s32 @!p1 $0xFFFF8000  }
.LBB2_1:
0x13: {  	p1 =	sgt.u32 s9, $0x1F  }
0x14: {  	s12 =	sxor.u32 @!p1 $0xFFFFFFFF, s9  }
0x15: {  	s13 =	sshrl.u32 @!p1 s10, $0x3;
	s12 =	sshll.u32 @!p1 s12, $0x7  }
0x16: {  	s14 =	sand.u32 @!p1 $0x7, s10;
	s13 =	sadd.s32 @!p1 s3, s13;
	s12 =	sand.u32 @!p1 $0x80, s12  }
0x17: {  	[tilespmem:s12], [sflag:$0x2] =	stream.linear.gather @!p1 [hbm4b:s13+s14], $0x80, $0x38;
	[tilespmem:$0x10100] =	vst v63  }
0x18: {  	p1 =	seq.s32 s9, $0x0  }
0x19: {  	p2 =	seq.s32 @!p1 s9, $0x21  }
0x1a: {  	p1 =	por p1, p2  }
.Ltmp2:
0x1b: {  	_ = 	snop;
	(pc) =	sbr.rel @p1 .LBB2_9-.Ltmp2, $1  }
0x1c: {  	_ =	sdelay $0x3  }
0x1d: {  	s12 =	simm.s32 $0x1;
	_ =	swait.ge [sflag:s5], $0x80;
	s13 =	sand.u32 $0x1, s9  }
0x1e: {  	s15 =	simm.s32 $0x0;
	s12 =	simm.s32 @!p0 $0x0;
	[sflag:s5] =	ssyncset.done $0x0  }
0x1f: {  	s14 =	sshll.u32 s13, $0xF;
	s13 =	sshll.u32 s13, $0x7;
	s12 =	sshll.u32 s12, $0xF  }
0x20: {  	[sflag:s5] =	ssyncadd.s32 $0xFFFFFF80;
	s14 =	sor.u32 $0x100, s14;
	s12 =	sor.u32 $0x100, s12  }
.LBB2_3:
0x21: {  	s16 =	sshll.u32 s15, $0x4  }
0x22: {  	s16 =	sand.u32 $0x3FFFFFF0, s16  }
0x23: {  	s16 =	sadd.s32 s16, s13  }
0x24: {  	v0 =	vld.msk [tilespmem:s16+$0x0 ss:$0x1], $0xffff;
	_ =	sdelay $0x4  }
0x25: {  	vm2 =	vgt.s32 v0, $0x0  }
0x26: {  	v0 =	vnsel vm2, $0x0, v0  }
0x27: {  	v0 =	vmin.u32 v0, $0xFFFF  }
0x28: {  	s31 =	sshll.u32 s15, $0xC;
	v1 =	vshll.u32 v0, $0x5;
	v0 =	vshll.u32 v0, $0x4  }
0x29: {  	s16 =	sand.u32 $0x3FFFF000, s31;
	v1 =	vand.u32 $0x1FFF00, v1;
	v0 =	vand.u32 $0x70, v0  }
0x2a: {  	p1 =	por $0x1, $0x1;
	s17 =	simm.s32 $0x0;
	s16 =	sadd.s32 s16, s14;
	v0 =	vor.u32 v0, v1  }
.LBB2_4:
0x2b: {  	_ =	sdelay $0x1  }
0x2c: {  	s17 =	sshra.s32 s17, $0x2;
	p2 =	por p1, p1  }
.Ltmp3:
0x2d: {  	s17 =	sadd.s32 s17, s16;
	(pc) =	sbr.rel @p2 .LBB2_4-.Ltmp3, $4  }
0x2e: {  	[tilespmem:s17], [sflag:$0x1] =	stream.indirect_vreg.gather [hbm:s2], $0x80, v0, vm0, $0x38;
	[tilespmem:$0x10100] =	vst v63  }
0x2f: {  	s17 =	sadd.s32 $0x800, s17  }
0x30: {  	[tilespmem:s17], [sflag:$0x1] =	stream.indirect_vreg.gather [hbm:s2], $0x80, v0, vm1, $0x38;
	[tilespmem:$0x10100] =	vst v63  }
0x31: {  	p1 =	por $0x0, $0x0;
	v0 =	vadd.s32 $0x80, v0;
	s17 =	simm.s32 $0x1000  }
0x32: {  	s15 =	sadd.s32 $0x1, s15  }
0x33: {  	p1 =	sne.s32 s15, $0x8  }
.Ltmp4:
0x34: {  	_ = 	snop;
	(pc) =	sbr.rel @p1 .LBB2_3-.Ltmp4, $1  }
0x35: {  	_ =	sdelay $0x3  }
0x36: {  	s13 =	sshll.u32 s11, $0x5  }
0x37: {  	s31 =	sshll.u32 s11, $0x4;
	s13 =	sand.u32 $0xFFFFFF00, s13  }
0x38: {  	_ =	swait.ge [sflag:s4], $0x8000;
	s11 =	sand.u32 $0x70, s31;
	s13 =	sadd.s32 s13, s7  }
0x39: {  	s14 =	sadd.s32 $0x800, s12;
	[sflag:s4] =	ssyncset.done $0x0;
	s11 =	sadd.s32 s11, s13  }
0x3a: {  	[sflag:s4] =	ssyncadd.s32 $0xFFFF8000;
	s13 =	simm.s32 $0x100;
	s15 =	sadd.s32 $0x0, s11  }
.LBB2_7:
0x3b: {  	[hbm:s15] =	stream.linear.scatter [tilespmem:s12], [sflag:$0x3], $0x800, $0x38;
	[tilespmem:$0x10100] =	vst v63  }
0x3c: {  	s15 =	smov.u32 s13;
	s12 =	smov.u32 s14;
	p1 =	sne.s32 s13, $0xF00  }
.Ltmp5:
0x3d: {  	s13 =	sadd.s32 $0x100, s13;
	(pc) =	sbr.rel @p1 .LBB2_7-.Ltmp5, $2  }
0x3e: {  	_ =	sdelay $0x2  }
0x3f: {  	s14 =	sadd.s32 $0x800, s14;
	s15 =	sadd.s32 s15, s11  }
.Ltmp6:
0x40: {  	_ = 	snop;
	(pc) =	sbr.rel .LBB2_8-.Ltmp6, $1  }
0x41: {  	_ =	sdelay $0x3  }
.LBB2_10:
0x42: {  	_ =	sfence.sel $0x180000  }
0x43: {  	s2 =	simm.s32 $0x2;
	[bflag:$0x0] =	sbarrier.arrive $0xFFFF  }
0x44: {  	s30 =	simm.s32 $0x3;
	[sflag:s2] =	ssyncpa.u1 $0x1  }
0x45: {  	s31 =	simm.s32 $0x1;
	[sflag:s30] =	ssyncpa.u1 $0x1  }
0x46: {  	[sflag:s31] =	ssyncpa.u1 $0x1  }
0x47: {  	p0 =	sne.s32 s1, $0x0;
	_ =	strace $0x90000056  }
0x48: {  	s0 =	sadd.s32 @!p0 $0x100000, s0;
	[bflag:$0x2] =	sbarrier.arrive $0xFFFF  }
0x49: {  	[sflag:s0] =	ssyncadd.tile.s32 @!p0 $0x1;
	_ =	shalt  }
.Lfunc_end2:
_tile_overlayer_lowered:
.L_overlay_start_2:
0x4a: {  	(tag) =	ssettag $0x2  }
0x4b: {  	s0 =	rddreg [dreg:$0x0];
	s2 =	stileid.u32  }
0x4c: {  	s1 =	rddreg [dreg:$0x1];
	p0 =	sne.s32 s2, $0x0  }
0x4d: {  	s3 =	rddreg [dreg:$0x2];
	[bflag:$0x3] =	sbarrier.arrive $0xFFFF;
	s2 =	simm.s32 @!p0 $0x1C01  }
0x4e: {  	[timem:s3], [sflag:s2] =	dma.local @!p0 [hbm:s0], s1  }
0x4f: {  	s0 =	simm.s32 @!p0 $0x1  }
0x50: {  	_ =	swait.ge @!p0 [sflag:s0], s1  }
0x51: {  	s1 =	ssub.s32 @!p0 $0x0, s1;
	[sflag:s0] =	ssyncset.done @!p0 $0x0  }
0x52: {  	[sflag:s0] =	ssyncadd.s32 @!p0 s1  }
0x53: {  	[bflag:$0x3] =	sbarrier.arrive $0xFFFF  }
0x54: {  	_ =	shalt  }

// kernel: gather_offload_async_start.4
scs
__scs_entry_jumppad:
0x0: {  	(pc) =	sbr.rel $0x88, $3  }
0x1: {  	(tag) =	ssettag $0x0;
	lr =	simm.s32 $0x1  }
0x2: {  	[smem:$0x3F9F] =	sst lr;
	_ =	strace $0xD0000000  }
0x3: {  	_ = 	snop  }
0x4: {  	_ = 	snop  }
0x5: {  	_ = 	snop  }
0x6: {  	_ = 	snop  }
0x7: {  	_ = 	snop  }
__scs_overlays_trampoline_lowered:
0x8: {  	[smem:$0x3FAE] =	sst s0  }
0x9: {  	[smem:$0x3FAF] =	sst s1  }
0xa: {  	[smem:$0x3FB0] =	sst s2  }
0xb: {  	[smem:$0x3FB1] =	sst s3  }
0xc: {  	[smem:$0x3FB2] =	sst s4  }
0xd: {  	[smem:$0x3FB3] =	sst s5  }
0xe: {  	[smem:$0x3FB4] =	sst s6  }
0xf: {  	[smem:$0x3FB5] =	sst s7  }
0x10: {  	[smem:$0x3FB6] =	sst s8  }
0x11: {  	[smem:$0x3FB7] =	sst s9;
	s0 =	simm.s32 @!p0 $0x0  }
0x12: {  	s1 =	sld [smem:$0x3F9D];
	s0 =	simm.s32 @p0 $0x1  }
0x13: {  	[smem:$0x3FB8] =	sst s0;
	s0 =	simm.s32 @!p1 $0x0  }
0x14: {  	s2 =	sld [smem:$0x3F9C];
	s0 =	simm.s32 @p1 $0x1  }
0x15: {  	[smem:$0x3FB9] =	sst s0;
	s0 =	simm.s32 @!p2 $0x0  }
0x16: {  	s3 =	sld [smem:$0x3FDB];
	s0 =	simm.s32 @p2 $0x1  }
0x17: {  	s4 =	simm.s32 $0x1BF5;
	[smem:$0x3FBB] =	sst s0  }
0x18: {  	s0 =	sld [smem:$0x3F9E];
	_ =	swait.ge [sflag:s4], $0x0  }
0x19: {  	s7 =	sld [smem:$0x3F9F]  }
0x1a: {  	s8 =	sadd.s32 $0xFFFFE003, lr  }
0x1b: {  	s9 =	sadd.s32 $0xFFFFFEF7, lr;
	s5 =	simm.s32 $0xFFFFFFFF;
	p2 =	slt.u32 s8, $0xFFFFF086  }
0x1c: {  	p1 =	slt.u32 s9, $0xF7A;
	s5 =	simm.s32 @!p2 $0x0  }
0x1d: {  	s5 =	simm.s32 @p1 $0x1;
	p0 =	seq.s32 s7, s2  }
0x1e: {  	s7 =	smul.u32 @!p0 $0xF7A, s2;
	p2 =	seq.s32 @!p0 s5, $0x0  }
0x1f: {  	s9 =	smul.u32 $0xF7A, s1;
	s8 =	simm.s32 @!p0 $0x1BF5;
	p2 =	por !p2, p0  }
0x20: {  	[sflag:s8] =	ssyncset.s32 @!p0 $0xFFFFF086;
	s6 =	sadd.s32 @!p0 s3, s7;
	s7 =	simm.s32 @!p0 $0x108  }
0x21: {  	s3 =	sadd.s32 s3, s9;
	s6 =	sadd.s32 @!p0 $0x88, s6;
	s7 =	simm.s32 @p2 $0x1082  }
0x22: {  	[simem:s7], [sflag:s8] =	dma.local @!p0 [hbm:s6], $0xF7A  }
0x23: {  	s9 =	sor.u32 $0xD0000000, s2;
	s6 =	simm.s32 $0x108;
	_ =	swait.ge @!p0 [sflag:s8], $0x0  }
0x24: {  	s3 =	sadd.s32 $0x88, s3;
	s6 =	simm.s32 @!p1 $0x1082;
	[sflag:s4] =	ssyncset.s32 $0xFFFFF086  }
0x25: {  	[simem:s6], [sflag:s4] =	dma.local [hbm:s3], $0xF7A  }
0x26: {  	[smem:$0x3F9F] =	sst s1;
	(tag) =	ssettag s2;
	_ =	strace s9  }
0x27: {  	s1 =	sld [smem:$0x3FAF]  }
0x28: {  	s2 =	sld [smem:$0x3FB0]  }
0x29: {  	s4 =	sld [smem:$0x3FB2]  }
0x2a: {  	p0 =	seq.s32 s5, $0x0;
	s5 =	sld [smem:$0x3FB3]  }
0x2b: {  	s6 =	sld [smem:$0x3FB4]  }
0x2c: {  	s7 =	sld [smem:$0x3FB5]  }
0x2d: {  	s3 =	simm.s32 $0x108;
	s8 =	sld [smem:$0x3FB6]  }
0x2e: {  	s3 =	simm.s32 @!p0 $0x1082;
	s9 =	sld [smem:$0x3FB7]  }
0x2f: {  	lr =	sadd.s32 s0, s3;
	s0 =	sld [smem:$0x3FAE]  }
0x30: {  	s3 =	sld [smem:$0x3FB1]  }
0x31: {  	[smem:$0x3FBA] =	sst s10  }
0x32: {  	s10 =	sld [smem:$0x3FB8];
	_ =	sdelay $0x3  }
0x33: {  	p0 =	seq.s32 s10, $0x1;
	s10 =	sld [smem:$0x3FBA];
	_ =	sdelay $0x3  }
0x34: {  	[smem:$0x3FBA] =	sst s10  }
0x35: {  	s10 =	sld [smem:$0x3FB9];
	_ =	sdelay $0x3  }
0x36: {  	p1 =	seq.s32 s10, $0x1;
	s10 =	sld [smem:$0x3FBA];
	_ =	sdelay $0x3  }
0x37: {  	[smem:$0x3FBA] =	sst s10  }
0x38: {  	s10 =	sld [smem:$0x3FBB]  }
0x39: {  	_ = 	snop;
	(pc) =	sbr.ind lr, $3  }
0x3a: {  	_ = 	snop  }
0x3b: {  	_ = 	snop  }
0x3c: {  	p2 =	seq.s32 s10, $0x1;
	s10 =	sld [smem:$0x3FBA]  }
0x3d: {  	_ =	shalt  }
0x3e: {  	_ =	shalt  }
0x3f: {  	_ =	shalt  }
0x40: {  	_ =	shalt  }
0x41: {  	_ =	shalt  }
0x42: {  	_ =	shalt  }
0x43: {  	_ =	shalt  }
0x44: {  	_ =	shalt  }
0x45: {  	_ =	shalt  }
0x46: {  	_ =	shalt  }
0x47: {  	_ =	shalt  }
0x48: {  	_ =	shalt  }
0x49: {  	_ =	shalt  }
0x4a: {  	_ =	shalt  }
0x4b: {  	_ =	shalt  }
0x4c: {  	_ =	shalt  }
0x4d: {  	_ =	shalt  }
0x4e: {  	_ =	shalt  }
0x4f: {  	_ =	shalt  }
0x50: {  	_ =	shalt  }
0x51: {  	_ =	shalt  }
0x52: {  	_ =	shalt  }
0x53: {  	_ =	shalt  }
0x54: {  	_ =	shalt  }
0x55: {  	_ =	shalt  }
0x56: {  	_ =	shalt  }
0x57: {  	_ =	shalt  }
0x58: {  	_ =	shalt  }
0x59: {  	_ =	shalt  }
0x5a: {  	_ =	shalt  }
0x5b: {  	_ =	shalt  }
0x5c: {  	_ =	shalt  }
0x5d: {  	_ =	shalt  }
0x5e: {  	_ =	shalt  }
0x5f: {  	_ =	shalt  }
0x60: {  	_ =	shalt  }
0x61: {  	_ =	shalt  }
0x62: {  	_ =	shalt  }
0x63: {  	_ =	shalt  }
0x64: {  	_ =	shalt  }
0x65: {  	_ =	shalt  }
0x66: {  	_ =	shalt  }
0x67: {  	_ =	shalt  }
0x68: {  	_ =	shalt  }
0x69: {  	_ =	shalt  }
0x6a: {  	_ =	shalt  }
0x6b: {  	_ =	shalt  }
0x6c: {  	_ =	shalt  }
0x6d: {  	_ =	shalt  }
0x6e: {  	_ =	shalt  }
0x6f: {  	_ =	shalt  }
0x70: {  	_ =	shalt  }
0x71: {  	_ =	shalt  }
0x72: {  	_ =	shalt  }
0x73: {  	_ =	shalt  }
0x74: {  	_ =	shalt  }
0x75: {  	_ =	shalt  }
0x76: {  	_ =	shalt  }
0x77: {  	_ =	shalt  }
0x78: {  	_ =	shalt  }
0x79: {  	_ =	shalt  }
0x7a: {  	_ =	shalt  }
0x7b: {  	_ =	shalt  }
0x7c: {  	_ =	shalt  }
0x7d: {  	_ =	shalt  }
0x7e: {  	_ =	shalt  }
0x7f: {  	_ =	shalt  }
0x80: {  	_ =	shalt  }
0x81: {  	_ =	shalt  }
0x82: {  	_ =	shalt  }
0x83: {  	_ =	shalt  }
0x84: {  	_ =	shalt  }
0x85: {  	_ =	shalt  }
0x86: {  	_ =	shalt  }
0x87: {  	_ =	shalt  }
.Lfunc_end0:
.L_simem_size_0:
called_computation.5_lowered:
.L_overlay_start_0:
0x88: {  	s2 =	sld [smem:$0x3FD9]  }
0x89: {  	s3 =	sld [smem:$0x3FFE];
	_ =	sdelay $0x1  }
0x8a: {  	s1 =	srdreg.scid  }
0x8b: {  	s0 =	sand.u32 $0x1, s1  }
0x8c: {  	s17 =	sshll.u32 s0, $0xA;
	s2 =	sadd.s32 s3, s2  }
0x8d: {  	s2 =	sadd.s32 s2, s17  }
0x8e: {  	[smem:$0x3FC6] =	sst s2  }
0x8f: {  	_ = 	snop  }
0x90: {  	s2 =	sld [smem:$0x3FD0];
	(tm) =	ssettm $0x1  }
0x91: {  	s18 =	sld [smem:$0x3FFB];
	_ =	sdelay $0x3  }
0x92: {  	_ =	strace s18  }
0x93: {  	s3 =	sld [smem:$0x3FFC];
	_ =	sdelay $0x3  }
0x94: {  	_ =	strace s3  }
0x95: {  	s3 =	sld [smem:$0x3FFD];
	_ =	sdelay $0x3  }
0x96: {  	_ =	strace s3  }
0x97: {  	_ =	strace $0x8FFFFFFF  }
0x98: {  	s19 =	sld [smem:$0x3FDB];
	_ =	sdelay $0x1  }
0x99: {  	s4 =	simm.s32 $_scs_section_size  }
0x9a: {  	s5 =	simm.s32 $_size__tile_overlayer_lowered;
	s6 =	simm.s32 $_tile_overlayer_lowered  }
0x9b: {  	s22 =	simm.s32 $0x1BFF;
	s21 =	sshll.u32 s6, $0x1;
	s3 =	sadd.s32 s4, s19  }
0x9c: {  	s7 =	simm.s32 $0x0;
	s20 =	sshll.u32 s5, $0x1;
	s5 =	sadd.s32 s21, s3  }
0x9d: {  	[timem:s7], [sflag:s22] =	dma.local [hbm:s5], s20  }
0x9e: {  	_ =	swait.ge [sflag:s22], s20  }
0x9f: {  	s4 =	ssub.s32 $0x0, s20;
	[sflag:s22] =	ssyncset.done $0x0  }
0xa0: {  	[sflag:s22] =	ssyncadd.s32 s4;
	_ =	sdelay $0x1  }
0xa1: {  	s23 =	simm.s32 $0x1B8B  }
0xa2: {  	_ =	swait.ge [sflag:s23], $0x1  }
0xa3: {  	[sflag:s23] =	ssyncset.done $0x0  }
0xa4: {  	s25 =	simm.s32 $0x1B8E;
	s24 =	sld [smem:$0x3FFE];
	[sflag:s23] =	ssyncadd.s32 $0xFFFFFFFF  }
0xa5: {  	s26 =	simm.s32 $execute0_lowered;
	[smem:$0x3FD2] =	sst s25  }
0xa6: {  	s5 =	sshll.u32 s26, $0x1;
	_ =	strace $0x80000046;
	[dreg:$0x1] =	wrdreg $0xFFFFFFFF  }
0xa7: {  	s28 =	simm.s32 $_size_execute0_lowered;
	s3 =	sadd.s32 s3, s5;
	[dreg:$0x0] =	wrdreg $0x0  }
0xa8: {  	s5 =	sshll.u32 s28, $0x1;
	[dreg:$0x2] =	wrdreg s3  }
0xa9: {  	[dreg:$0x3] =	wrdreg s5  }
0xaa: {  	[dreg:$0x4] =	wrdreg $0xC0  }
0xab: {  	_ =	task [dreg:s7], $0x5FFFF  }
0xac: {  	[dreg:$0x1] =	wrdreg $0xFFFFFFFF  }
0xad: {  	[dreg:$0x0] =	wrdreg $0x60  }
0xae: {  	[dreg:$0x2] =	wrdreg s24  }
0xaf: {  	[dreg:$0x3] =	wrdreg s2  }
0xb0: {  	[dreg:$0x4] =	wrdreg $0xA  }
0xb1: {  	_ =	task.clear_ibuf [dreg:s7], $0x5FFFF;
	_ =	strace $0x90000046  }
0xb2: {  	s29 =	simm.s32 $0xA;
	_ =	strace $0x80000048  }
0xb3: {  	_ =	swait.ge [sflag:s29], $0x1  }
0xb4: {  	[sflag:s29] =	ssyncadd.s32 $0xFFFFFFFF  }
0xb5: {  	_ =	strace $0x90000048  }
0xb6: {  	_ =	sfence  }
0xb7: {  	s30 =	sld [smem:$0x0];
	_ =	sdelay $0x2  }
0xb8: {  	s31 =	sshll.u32 s1, $0xD;
	s1 =	sshrl.u32 s1, $0x2  }
0xb9: {  	s3 =	sand.u32 $0x4000, s31;
	s1 =	sadd.s32 s1, s30  }
0xba: {  	s0 =	sor.u32 s3, s0;
	s1 =	sshll.u32 s1, $0x11  }
0xbb: {  	s0 =	sor.u32 s1, s0  }
0xbc: {  	s0 =	sadd.s32 $0x8F2B, s0  }
0xbd: {  	[sflag:s0] =	ssyncadd.remote.s32 $0x1  }
0xbe: {  	_ =	sfence.sel $0xFFFF  }
0xbf: {  	[dreg:$0x0] =	wrdreg $0xFFFFFFFF;
	(pc) =	sbr.abs _section_cstart, $3  }
0xc0: {  	[dreg:$0x1] =	wrdreg $0xFFFFFFFF  }
0xc1: {  	_ =	task.clear_ibuf [dreg:s7], $0x2FFFF;
	_ =	strace $0x9FFFFFFF  }
0xc2: {  	(tm) =	ssettm $0x7FFFFFFF  }
0xc3: {  	_ =	shalt  }
tec
execute0_lowered:
.L_overlay_start_1:
0x0: {  	(tag) =	ssettag $0x1  }
0x1: {  	s5 =	rddreg [dreg:$0x0];
	s0 =	srdreg.scid  }
0x2: {  	s2 =	rddreg [dreg:$0x1];
	s1 =	stileid.u32;
	s6 =	simm.s32 $0x1  }
0x3: {  	s9 =	simm.s32 $0x1;
	s10 =	simm.s32 $0x3;
	s3 =	sshll.u32 s0, $0xB  }
0x4: {  	s13 =	simm.s32 $0x0;
	s4 =	sshll.u32 s1, $0xC;
	s3 =	sand.u32 $0x800, s3  }
0x5: {  	s0 =	rddreg [dreg:$0x2];
	_ =	strace $0x80000047;
	s3 =	sor.u32 s4, s3  }
0x6: {  	s12 =	simm.s32 $0x0;
	[sflag:s6] =	ssyncpa.u1 $0x0;
	s8 =	ssub.s32 $0x20000, s3  }
.Ltmp0:
0x7: {  	s4 =	sadd.s32 $0xA0BE00, s5;
	s7 =	sand.u32 $0xF800, s8;
	(pc) =	sbr.rel .LBB2_1-.Ltmp0, $4  }
0x8: {  	s5 =	sadd.s32 $0xA37E00, s5;
	s11 =	smov.u32 s3;
	p0 =	sne.s32 s7, $0x0  }
0x9: {  	s8 =	sshrl.u32 s8, $0x10;
	s7 =	simm.s32 $0x2;
	s9 =	simm.s32 @!p0 $0x0  }
0xa: {  	[sflag:s7] =	ssyncpa.u1 $0x0;
	p0 =	por $0x0, $0x0;
	s8 =	sadd.s32 s9, s8  }
0xb: {  	vm0 =	vmmov $0xffff;
	[sflag:s10] =	ssyncpa.u1 $0x0;
	s10 =	simm.s32 $0x0;
	s9 =	sadd.s32 $0x1, s8  }
.LBB2_4:
0xc: {  	vm1 =	veq.s32 v0, $0x80000000;
	v63 =	vand.u32 $0x3FF, v0;
	v2 =	vand.u32 $0x3FF, v2  }
0xd: {  	v0 =	vsel vm1, $0xFFFFFFFF, v63;
	v2 =	vsel vm1, $0xFFFFFFFF, v2  }
0xe: {  	v3 =	vshll.u32 v0, $0xA;
	v4 =	vshll.u32 v2, $0x3  }
0xf: {  	v0 =	vshll.u32 v0, $0x7;
	v3 =	vand.u32 $0xFFFFE000, v3;
	v4 =	vand.u32 $0xFFFFFC00, v4  }
0x10: {  	v0 =	vand.u32 $0x380, v0;
	v3 =	vadd.s32 v3, v4  }
0x11: {  	v2 =	vand.u32 $0x7F, v2;
	v0 =	vor.u32 v0, v3  }
0x12: {  	v0 =	vor.u32 v2, v0;
	_ =	sdelay $0x1  }
0x13: {  	(ifvalue) =	ssetifvalue $0x7FFFFFFF;
	s14 =	sadd.s32 $0x10, s14  }
0x14: {  	[tilespmem:s14], [sflag:$0x1] =	stream.indirect_vreg.gather [hbm4b:s4+s10], $0x1, v1, vm0, $0x4038;
	[tilespmem:$0x2000] =	vst v63  }
0x15: {  	(ifvalue) =	ssetifvalue $0x7FFFFFFF;
	s14 =	sadd.s32 $0x10, s14  }
0x16: {  	[tilespmem:s14], [sflag:$0x1] =	stream.indirect_vreg.gather [hbm4b:s4+s10], $0x1, v0, vm0, $0x4038;
	[tilespmem:$0x2000] =	vst v63  }
0x17: {  	_ =	swait.ge [sflag:s6], $0x800  }
0x18: {  	s30 =	sshrl.u32 s13, $0x3;
	[sflag:s6] =	ssyncset.done $0x0  }
0x19: {  	s31 =	sand.u32 $0x7, s13;
	s14 =	sadd.s32 s5, s30;
	[sflag:s6] =	ssyncadd.s32 $0xFFFFF800  }
0x1a: {  	[hbm4b:s14+s31] =	stream.linear.scatter [tilespmem:s15], [sflag:$0x3], $0x800, $0x38;
	[tilespmem:$0x2000] =	vst v63  }
.LBB2_5:
0x1b: {  	s15 =	sadd.s32 $0x10000, s11  }
0x1c: {  	p2 =	sgt.s32 s15, $0x1FFFF  }
0x1d: {  	s15 =	smov.u32 @p2 s3;
	p2 =	sne.s32 s12, s9  }
.Ltmp1:
0x1e: {  	p1 =	slt.u32 s12, $0x2;
	(pc) =	sbr.rel @!p2 .LBB2_6-.Ltmp1, $4  }
0x1f: {  	s14 =	simm.s32 @!p1 $0x3  }
0x20: {  	s16 =	sadd.s32 $0x1, s12;
	_ =	swait.ge @!p1 [sflag:s14], $0x800  }
0x21: {  	s13 =	smov.u32 s11;
	p0 =	por !p0, !p0;
	[sflag:s14] =	ssyncset.done @!p1 $0x0  }
0x22: {  	s12 =	smov.u32 s16;
	s11 =	smov.u32 s15;
	[sflag:s14] =	ssyncadd.s32 @!p1 $0xFFFFF800  }
.LBB2_1:
0x23: {  	p1 =	sge.u32 s12, s8  }
0x24: {  	s14 =	sxor.u32 @!p1 $0xFFFFFFFF, s12  }
0x25: {  	s31 =	sadd.s32 $0xFFFFFFFF, s12;
	s15 =	sshrl.u32 @!p1 s11, $0x3;
	s14 =	sshll.u32 @!p1 s14, $0xB  }
0x26: {  	s16 =	sand.u32 @!p1 $0x7, s11;
	s15 =	sadd.s32 @!p1 s2, s15;
	s14 =	sand.u32 @!p1 $0x800, s14  }
0x27: {  	[tilespmem:s14], [sflag:$0x2] =	stream.linear.gather @!p1 [hbm4b:s15+s16], $0x800, $0x38;
	[tilespmem:$0x2000] =	vst v63  }
0x28: {  	p1 =	sge.u32 s31, s8  }
.Ltmp2:
0x29: {  	_ = 	snop;
	(pc) =	sbr.rel @p1 .LBB2_5-.Ltmp2, $1  }
0x2a: {  	_ =	sdelay $0x3  }
0x2b: {  	s14 =	simm.s32 $0x1  }
0x2c: {  	_ =	swait.ge [sflag:s7], $0x800;
	s14 =	simm.s32 @!p0 $0x0  }
0x2d: {  	[sflag:s7] =	ssyncset.done $0x0;
	s14 =	sshll.u32 s14, $0xB  }
0x2e: {  	[sflag:s7] =	ssyncadd.s32 $0xFFFFF800;
	(ifvalue) =	ssetifvalue $0x7FFFFFFF;
	v0 =	vld.msk [tilespmem:s14+$0x0 ss:$0x1], $0xffff;
	_ =	sdelay $0x3  }
0x2f: {  	s15 =	sadd.s32 $0x10, s14  }
0x30: {  	v2 =	vld.msk [tilespmem:s15+$0x0 ss:$0x1], $0xffff;
	v1 =	vshrl.u32 v0, $0xA  }
0x31: {  	vm1 =	veq.s32 v0, $0x80000000;
	v0 =	vand.u32 $0x3FF, v0;
	v1 =	vand.u32 $0x3FF, v1  }
0x32: {  	v0 =	vsel vm1, $0xFFFFFFFF, v0;
	v1 =	vsel vm1, $0xFFFFFFFF, v1  }
0x33: {  	v3 =	vshll.u32 v0, $0xA;
	v4 =	vshll.u32 v1, $0x3  }
0x34: {  	v0 =	vshll.u32 v0, $0x7;
	v3 =	vand.u32 $0xFFFFE000, v3;
	v4 =	vand.u32 $0xFFFFFC00, v4  }
0x35: {  	vm1 =	veq.s32 v2, $0x80000000;
	v0 =	vand.u32 $0x380, v0;
	v3 =	vadd.s32 v3, v4  }
0x36: {  	v1 =	vand.u32 $0x7F, v1;
	v0 =	vor.u32 v0, v3;
	v3 =	vshrl.u32 v2, $0xA  }
0x37: {  	s17 =	sadd.s32 $0x10, s15;
	v2 =	vand.u32 $0x3FF, v2;
	v1 =	vor.u32 v1, v0;
	v3 =	vand.u32 $0x3FF, v3  }
0x38: {  	v0 =	vld.msk [tilespmem:s17+$0x0 ss:$0x1], $0xffff;
	v2 =	vsel vm1, $0xFFFFFFFF, v2;
	v3 =	vsel vm1, $0xFFFFFFFF, v3  }
0x39: {  	v63 =	vshll.u32 v2, $0xA;
	v5 =	vshll.u32 v3, $0x3  }
0x3a: {  	s31 =	sshll.u32 s12, $0xB;
	v2 =	vshll.u32 v2, $0x7;
	v4 =	vand.u32 $0xFFFFE000, v63;
	v5 =	vand.u32 $0xFFFFFC00, v5  }
0x3b: {  	s14 =	sor.u32 $0x1000, s14;
	s15 =	sand.u32 $0x800, s31;
	(ifvalue) =	ssetifvalue $0x7FFFFFFF;
	v2 =	vand.u32 $0x380, v2;
	v4 =	vadd.s32 v4, v5  }
0x3c: {  	[tilespmem:s14], [sflag:$0x1] =	stream.indirect_vreg.gather [hbm4b:s4+s10], $0x1, v1, vm0, $0x4038;
	v1 =	vand.u32 $0x7F, v3;
	v3 =	vor.u32 v2, v4;
	[tilespmem:$0x2000] =	vst v63  }
0x3d: {  	s16 =	simm.s32 $0x20;
	s15 =	sor.u32 $0x1000, s15;
	s17 =	sadd.s32 $0x10, s17;
	v2 =	vshrl.u32 v0, $0xA;
	v1 =	vor.u32 v1, v3  }
.LBB2_3:
0x3e: {  	s16 =	sadd.s32 $0x10, s16;
	vm1 =	veq.s32 v0, $0x80000000;
	v3 =	vand.u32 $0x3FF, v0;
	v0 =	vld.msk [tilespmem:s17+$0x0 ss:$0x1], $0xffff;
	v2 =	vand.u32 $0x3FF, v2  }
0x3f: {  	p1 =	slt.u32 s16, $0x7F0;
	v3 =	vsel vm1, $0xFFFFFFFF, v3;
	v2 =	vsel vm1, $0xFFFFFFFF, v2  }
.Ltmp3:
0x40: {  	v4 =	vshll.u32 v3, $0xA;
	v5 =	vshll.u32 v2, $0x3;
	(pc) =	sbr.rel @p1 .LBB2_3-.Ltmp3, $4  }
0x41: {  	s14 =	sadd.s32 $0x10, s14;
	v3 =	vshll.u32 v3, $0x7;
	v4 =	vand.u32 $0xFFFFE000, v4;
	v5 =	vand.u32 $0xFFFFFC00, v5;
	(ifvalue) =	ssetifvalue $0x7FFFFFFF  }
0x42: {  	v3 =	vand.u32 $0x380, v3;
	v4 =	vadd.s32 v4, v5;
	[tilespmem:s14], [sflag:$0x1] =	stream.indirect_vreg.gather [hbm4b:s4+s10], $0x1, v1, vm0, $0x4038;
	[tilespmem:$0x2000] =	vst v63  }
0x43: {  	v1 =	vand.u32 $0x7F, v2;
	v3 =	vor.u32 v3, v4  }
0x44: {  	s17 =	sadd.s32 $0x10, s17;
	v2 =	vshrl.u32 v0, $0xA;
	v1 =	vor.u32 v1, v3  }
.Ltmp4:
0x45: {  	_ = 	snop;
	(pc) =	sbr.rel .LBB2_4-.Ltmp4, $1  }
0x46: {  	_ =	sdelay $0x3  }
.LBB2_6:
0x47: {  	_ =	sfence.sel $0x180000  }
0x48: {  	s2 =	simm.s32 $0x2;
	[bflag:$0x0] =	sbarrier.arrive $0xFFFF  }
0x49: {  	s30 =	simm.s32 $0x3;
	[sflag:s2] =	ssyncpa.u1 $0x1  }
0x4a: {  	s31 =	simm.s32 $0x1;
	[sflag:s30] =	ssyncpa.u1 $0x1  }
0x4b: {  	[sflag:s31] =	ssyncpa.u1 $0x1  }
0x4c: {  	p0 =	sne.s32 s1, $0x0;
	_ =	strace $0x90000047  }
0x4d: {  	s0 =	sadd.s32 @!p0 $0x100000, s0;
	[bflag:$0x2] =	sbarrier.arrive $0xFFFF  }
0x4e: {  	[sflag:s0] =	ssyncadd.tile.s32 @!p0 $0x1;
	_ =	shalt  }
.Lfunc_end2:
_tile_overlayer_lowered:
.L_overlay_start_2:
0x4f: {  	(tag) =	ssettag $0x2  }
0x50: {  	s0 =	rddreg [dreg:$0x0];
	s2 =	stileid.u32  }
0x51: {  	s1 =	rddreg [dreg:$0x1];
	p0 =	sne.s32 s2, $0x0  }
0x52: {  	s3 =	rddreg [dreg:$0x2];
	[bflag:$0x3] =	sbarrier.arrive $0xFFFF;
	s2 =	simm.s32 @!p0 $0x1C01  }
0x53: {  	[timem:s3], [sflag:s2] =	dma.local @!p0 [hbm:s0], s1  }
0x54: {  	s0 =	simm.s32 @!p0 $0x1  }
0x55: {  	_ =	swait.ge @!p0 [sflag:s0], s1  }
0x56: {  	s1 =	ssub.s32 @!p0 $0x0, s1;
	[sflag:s0] =	ssyncset.done @!p0 $0x0  }
0x57: {  	[sflag:s0] =	ssyncadd.s32 @!p0 s1  }
0x58: {  	[bflag:$0x3] =	sbarrier.arrive $0xFFFF  }
0x59: {  	_ =	shalt  }

// kernel: gather_offload_async_start.5
scs
__scs_entry_jumppad:
0x0: {  	(pc) =	sbr.rel $0x88, $3  }
0x1: {  	(tag) =	ssettag $0x0;
	lr =	simm.s32 $0x1  }
0x2: {  	[smem:$0x3F9F] =	sst lr;
	_ =	strace $0xD0000000  }
0x3: {  	_ = 	snop  }
0x4: {  	_ = 	snop  }
0x5: {  	_ = 	snop  }
0x6: {  	_ = 	snop  }
0x7: {  	_ = 	snop  }
__scs_overlays_trampoline_lowered:
0x8: {  	[smem:$0x3FAE] =	sst s0  }
0x9: {  	[smem:$0x3FAF] =	sst s1  }
0xa: {  	[smem:$0x3FB0] =	sst s2  }
0xb: {  	[smem:$0x3FB1] =	sst s3  }
0xc: {  	[smem:$0x3FB2] =	sst s4  }
0xd: {  	[smem:$0x3FB3] =	sst s5  }
0xe: {  	[smem:$0x3FB4] =	sst s6  }
0xf: {  	[smem:$0x3FB5] =	sst s7  }
0x10: {  	[smem:$0x3FB6] =	sst s8  }
0x11: {  	[smem:$0x3FB7] =	sst s9;
	s0 =	simm.s32 @!p0 $0x0  }
0x12: {  	s1 =	sld [smem:$0x3F9D];
	s0 =	simm.s32 @p0 $0x1  }
0x13: {  	[smem:$0x3FB8] =	sst s0;
	s0 =	simm.s32 @!p1 $0x0  }
0x14: {  	s2 =	sld [smem:$0x3F9C];
	s0 =	simm.s32 @p1 $0x1  }
0x15: {  	[smem:$0x3FB9] =	sst s0;
	s0 =	simm.s32 @!p2 $0x0  }
0x16: {  	s3 =	sld [smem:$0x3FDB];
	s0 =	simm.s32 @p2 $0x1  }
0x17: {  	s4 =	simm.s32 $0x1BF5;
	[smem:$0x3FBB] =	sst s0  }
0x18: {  	s0 =	sld [smem:$0x3F9E];
	_ =	swait.ge [sflag:s4], $0x0  }
0x19: {  	s7 =	sld [smem:$0x3F9F]  }
0x1a: {  	s8 =	sadd.s32 $0xFFFFE003, lr  }
0x1b: {  	s9 =	sadd.s32 $0xFFFFFEF7, lr;
	s5 =	simm.s32 $0xFFFFFFFF;
	p2 =	slt.u32 s8, $0xFFFFF086  }
0x1c: {  	p1 =	slt.u32 s9, $0xF7A;
	s5 =	simm.s32 @!p2 $0x0  }
0x1d: {  	s5 =	simm.s32 @p1 $0x1;
	p0 =	seq.s32 s7, s2  }
0x1e: {  	s7 =	smul.u32 @!p0 $0xF7A, s2;
	p2 =	seq.s32 @!p0 s5, $0x0  }
0x1f: {  	s9 =	smul.u32 $0xF7A, s1;
	s8 =	simm.s32 @!p0 $0x1BF5;
	p2 =	por !p2, p0  }
0x20: {  	[sflag:s8] =	ssyncset.s32 @!p0 $0xFFFFF086;
	s6 =	sadd.s32 @!p0 s3, s7;
	s7 =	simm.s32 @!p0 $0x108  }
0x21: {  	s3 =	sadd.s32 s3, s9;
	s6 =	sadd.s32 @!p0 $0x88, s6;
	s7 =	simm.s32 @p2 $0x1082  }
0x22: {  	[simem:s7], [sflag:s8] =	dma.local @!p0 [hbm:s6], $0xF7A  }
0x23: {  	s9 =	sor.u32 $0xD0000000, s2;
	s6 =	simm.s32 $0x108;
	_ =	swait.ge @!p0 [sflag:s8], $0x0  }
0x24: {  	s3 =	sadd.s32 $0x88, s3;
	s6 =	simm.s32 @!p1 $0x1082;
	[sflag:s4] =	ssyncset.s32 $0xFFFFF086  }
0x25: {  	[simem:s6], [sflag:s4] =	dma.local [hbm:s3], $0xF7A  }
0x26: {  	[smem:$0x3F9F] =	sst s1;
	(tag) =	ssettag s2;
	_ =	strace s9  }
0x27: {  	s1 =	sld [smem:$0x3FAF]  }
0x28: {  	s2 =	sld [smem:$0x3FB0]  }
0x29: {  	s4 =	sld [smem:$0x3FB2]  }
0x2a: {  	p0 =	seq.s32 s5, $0x0;
	s5 =	sld [smem:$0x3FB3]  }
0x2b: {  	s6 =	sld [smem:$0x3FB4]  }
0x2c: {  	s7 =	sld [smem:$0x3FB5]  }
0x2d: {  	s3 =	simm.s32 $0x108;
	s8 =	sld [smem:$0x3FB6]  }
0x2e: {  	s3 =	simm.s32 @!p0 $0x1082;
	s9 =	sld [smem:$0x3FB7]  }
0x2f: {  	lr =	sadd.s32 s0, s3;
	s0 =	sld [smem:$0x3FAE]  }
0x30: {  	s3 =	sld [smem:$0x3FB1]  }
0x31: {  	[smem:$0x3FBA] =	sst s10  }
0x32: {  	s10 =	sld [smem:$0x3FB8];
	_ =	sdelay $0x3  }
0x33: {  	p0 =	seq.s32 s10, $0x1;
	s10 =	sld [smem:$0x3FBA];
	_ =	sdelay $0x3  }
0x34: {  	[smem:$0x3FBA] =	sst s10  }
0x35: {  	s10 =	sld [smem:$0x3FB9];
	_ =	sdelay $0x3  }
0x36: {  	p1 =	seq.s32 s10, $0x1;
	s10 =	sld [smem:$0x3FBA];
	_ =	sdelay $0x3  }
0x37: {  	[smem:$0x3FBA] =	sst s10  }
0x38: {  	s10 =	sld [smem:$0x3FBB]  }
0x39: {  	_ = 	snop;
	(pc) =	sbr.ind lr, $3  }
0x3a: {  	_ = 	snop  }
0x3b: {  	_ = 	snop  }
0x3c: {  	p2 =	seq.s32 s10, $0x1;
	s10 =	sld [smem:$0x3FBA]  }
0x3d: {  	_ =	shalt  }
0x3e: {  	_ =	shalt  }
0x3f: {  	_ =	shalt  }
0x40: {  	_ =	shalt  }
0x41: {  	_ =	shalt  }
0x42: {  	_ =	shalt  }
0x43: {  	_ =	shalt  }
0x44: {  	_ =	shalt  }
0x45: {  	_ =	shalt  }
0x46: {  	_ =	shalt  }
0x47: {  	_ =	shalt  }
0x48: {  	_ =	shalt  }
0x49: {  	_ =	shalt  }
0x4a: {  	_ =	shalt  }
0x4b: {  	_ =	shalt  }
0x4c: {  	_ =	shalt  }
0x4d: {  	_ =	shalt  }
0x4e: {  	_ =	shalt  }
0x4f: {  	_ =	shalt  }
0x50: {  	_ =	shalt  }
0x51: {  	_ =	shalt  }
0x52: {  	_ =	shalt  }
0x53: {  	_ =	shalt  }
0x54: {  	_ =	shalt  }
0x55: {  	_ =	shalt  }
0x56: {  	_ =	shalt  }
0x57: {  	_ =	shalt  }
0x58: {  	_ =	shalt  }
0x59: {  	_ =	shalt  }
0x5a: {  	_ =	shalt  }
0x5b: {  	_ =	shalt  }
0x5c: {  	_ =	shalt  }
0x5d: {  	_ =	shalt  }
0x5e: {  	_ =	shalt  }
0x5f: {  	_ =	shalt  }
0x60: {  	_ =	shalt  }
0x61: {  	_ =	shalt  }
0x62: {  	_ =	shalt  }
0x63: {  	_ =	shalt  }
0x64: {  	_ =	shalt  }
0x65: {  	_ =	shalt  }
0x66: {  	_ =	shalt  }
0x67: {  	_ =	shalt  }
0x68: {  	_ =	shalt  }
0x69: {  	_ =	shalt  }
0x6a: {  	_ =	shalt  }
0x6b: {  	_ =	shalt  }
0x6c: {  	_ =	shalt  }
0x6d: {  	_ =	shalt  }
0x6e: {  	_ =	shalt  }
0x6f: {  	_ =	shalt  }
0x70: {  	_ =	shalt  }
0x71: {  	_ =	shalt  }
0x72: {  	_ =	shalt  }
0x73: {  	_ =	shalt  }
0x74: {  	_ =	shalt  }
0x75: {  	_ =	shalt  }
0x76: {  	_ =	shalt  }
0x77: {  	_ =	shalt  }
0x78: {  	_ =	shalt  }
0x79: {  	_ =	shalt  }
0x7a: {  	_ =	shalt  }
0x7b: {  	_ =	shalt  }
0x7c: {  	_ =	shalt  }
0x7d: {  	_ =	shalt  }
0x7e: {  	_ =	shalt  }
0x7f: {  	_ =	shalt  }
0x80: {  	_ =	shalt  }
0x81: {  	_ =	shalt  }
0x82: {  	_ =	shalt  }
0x83: {  	_ =	shalt  }
0x84: {  	_ =	shalt  }
0x85: {  	_ =	shalt  }
0x86: {  	_ =	shalt  }
0x87: {  	_ =	shalt  }
.Lfunc_end0:
.L_simem_size_0:
called_computation.6_lowered:
.L_overlay_start_0:
0x88: {  	s2 =	sld [smem:$0x3FD9]  }
0x89: {  	s3 =	sld [smem:$0x3FFE];
	_ =	sdelay $0x1  }
0x8a: {  	s1 =	srdreg.scid  }
0x8b: {  	s0 =	sand.u32 $0x1, s1  }
0x8c: {  	s17 =	sshll.u32 s0, $0xA;
	s2 =	sadd.s32 s3, s2  }
0x8d: {  	s2 =	sadd.s32 s2, s17  }
0x8e: {  	[smem:$0x3FC6] =	sst s2  }
0x8f: {  	_ = 	snop  }
0x90: {  	(tm) =	ssettm $0x1  }
0x91: {  	s18 =	sld [smem:$0x3FFB];
	_ =	sdelay $0x3  }
0x92: {  	_ =	strace s18  }
0x93: {  	s2 =	sld [smem:$0x3FFC];
	_ =	sdelay $0x3  }
0x94: {  	_ =	strace s2  }
0x95: {  	s2 =	sld [smem:$0x3FFD];
	_ =	sdelay $0x3  }
0x96: {  	_ =	strace s2  }
0x97: {  	_ =	strace $0x8FFFFFFF  }
0x98: {  	s19 =	sld [smem:$0x3FDB];
	_ =	sdelay $0x1  }
0x99: {  	s20 =	simm.s32 $_scs_section_size  }
0x9a: {  	s4 =	simm.s32 $_size__tile_overlayer_lowered;
	s5 =	simm.s32 $_tile_overlayer_lowered  }
0x9b: {  	s6 =	simm.s32 $0x1BFF;
	s21 =	sshll.u32 s5, $0x1;
	s3 =	sadd.s32 s20, s19  }
0x9c: {  	s22 =	simm.s32 $0x0;
	s4 =	sshll.u32 s4, $0x1;
	s5 =	sadd.s32 s21, s3  }
0x9d: {  	[timem:s22], [sflag:s6] =	dma.local [hbm:s5], s4  }
0x9e: {  	_ =	swait.ge [sflag:s6], s4  }
0x9f: {  	s4 =	ssub.s32 $0x0, s4;
	[sflag:s6] =	ssyncset.done $0x0  }
0xa0: {  	[sflag:s6] =	ssyncadd.s32 s4;
	_ =	sdelay $0x1  }
0xa1: {  	s23 =	simm.s32 $0x1B8B  }
0xa2: {  	_ =	swait.ge [sflag:s23], $0x1  }
0xa3: {  	[sflag:s23] =	ssyncset.done $0x0  }
0xa4: {  	[sflag:s23] =	ssyncadd.s32 $0xFFFFFFFF  }
0xa5: {  	s4 =	sld [smem:$0x0]  }
0xa6: {  	s5 =	sand.u32 $0xFFFFFFFE, s1  }
0xa7: {  	p0 =	sne.s32 s1, s5  }
0xa8: {  	s5 =	sshll.u32 @p0 s5, $0xE  }
0xa9: {  	s5 =	sadd.s32 @p0 $0x11B8D, s5;
	s6 =	sshll.u32 @p0 s4, $0x11  }
0xaa: {  	s5 =	sor.u32 @p0 s6, s5  }
0xab: {  	[sflag:s5] =	ssyncadd.remote.s32 @p0 $0x1;
	_ =	sdelay $0x1  }
0xac: {  	s5 =	simm.s32 @p0 $0x1B8D  }
0xad: {  	_ =	swait.eq @p0 [sflag:s5], $0x1  }
0xae: {  	[sflag:s5] =	ssyncadd.s32 @p0 $0xFFFFFFFF  }
0xaf: {  	s6 =	sshll.u32 @!p0 s1, $0xE  }
0xb0: {  	s6 =	sor.u32 @!p0 $0x4000, s6;
	s5 =	simm.s32 @!p0 $0x1B8D  }
0xb1: {  	s4 =	sshll.u32 @!p0 s4, $0x11;
	s6 =	sadd.s32 @!p0 $0x11B8D, s6;
	_ =	swait.eq @!p0 [sflag:s5], $0x1  }
0xb2: {  	s4 =	sor.u32 @!p0 s4, s6;
	[sflag:s5] =	ssyncadd.s32 @!p0 $0xFFFFFFFF  }
0xb3: {  	s25 =	simm.s32 $0x1B8E;
	s24 =	sld [smem:$0x3FFE];
	[sflag:s4] =	ssyncadd.remote.s32 @!p0 $0x1  }
0xb4: {  	s26 =	simm.s32 $execute0_lowered;
	[smem:$0x3FD2] =	sst s25  }
0xb5: {  	s5 =	sshll.u32 s26, $0x1;
	_ =	strace $0x8000004F;
	[dreg:$0x1] =	wrdreg $0xFFFFFFFF  }
0xb6: {  	s28 =	simm.s32 $_size_execute0_lowered;
	s3 =	sadd.s32 s3, s5;
	[dreg:$0x0] =	wrdreg $0x0  }
0xb7: {  	s5 =	sshll.u32 s28, $0x1;
	[dreg:$0x2] =	wrdreg s3  }
0xb8: {  	[dreg:$0x3] =	wrdreg s5  }
0xb9: {  	[dreg:$0x4] =	wrdreg $0xC0  }
0xba: {  	_ =	task [dreg:s22], $0x5FFFF  }
0xbb: {  	[dreg:$0x1] =	wrdreg $0xFFFFFFFF  }
0xbc: {  	[dreg:$0x0] =	wrdreg $0x60  }
0xbd: {  	[dreg:$0x2] =	wrdreg s24  }
0xbe: {  	[dreg:$0x3] =	wrdreg $0xB  }
0xbf: {  	_ =	task.clear_ibuf [dreg:s22], $0x4FFFF;
	_ =	strace $0x9000004F  }
0xc0: {  	s29 =	simm.s32 $0xB;
	_ =	strace $0x80000051  }
0xc1: {  	_ =	swait.ge [sflag:s29], $0x1  }
0xc2: {  	[sflag:s29] =	ssyncadd.s32 $0xFFFFFFFF  }
0xc3: {  	_ =	strace $0x90000051  }
0xc4: {  	_ =	sfence  }
0xc5: {  	s30 =	sld [smem:$0x0];
	_ =	sdelay $0x2  }
0xc6: {  	s31 =	sshll.u32 s1, $0xD;
	s1 =	sshrl.u32 s1, $0x2  }
0xc7: {  	s4 =	sand.u32 $0x4000, s31;
	s1 =	sadd.s32 s1, s30  }
0xc8: {  	s0 =	sor.u32 s4, s0;
	s1 =	sshll.u32 s1, $0x11  }
0xc9: {  	s0 =	sor.u32 s1, s0  }
0xca: {  	s0 =	sadd.s32 $0x8F2B, s0  }
0xcb: {  	[sflag:s0] =	ssyncadd.remote.s32 $0x1  }
0xcc: {  	_ =	sfence.sel $0xFFFF  }
0xcd: {  	[dreg:$0x0] =	wrdreg $0xFFFFFFFF;
	(pc) =	sbr.abs _section_cstart, $3  }
0xce: {  	[dreg:$0x1] =	wrdreg $0xFFFFFFFF  }
0xcf: {  	_ =	task.clear_ibuf [dreg:s22], $0x2FFFF;
	_ =	strace $0x9FFFFFFF  }
0xd0: {  	(tm) =	ssettm $0x7FFFFFFF  }
0xd1: {  	_ =	shalt  }
tec
execute0_lowered:
.L_overlay_start_1:
0x0: {  	(tag) =	ssettag $0x1  }
0x1: {  	s0 =	srdreg.scid;
	s5 =	rddreg [dreg:$0x0]  }
0x2: {  	s1 =	stileid.u32;
	s6 =	simm.s32 $0x1;
	s9 =	simm.s32 $0x1  }
0x3: {  	s10 =	simm.s32 $0x3;
	s13 =	simm.s32 $0x0;
	s2 =	sshll.u32 s0, $0xB  }
0x4: {  	s12 =	simm.s32 $0x0;
	s3 =	sshll.u32 s1, $0xC;
	s4 =	sand.u32 $0x800, s2  }
0x5: {  	s0 =	rddreg [dreg:$0x1];
	_ =	strace $0x80000050;
	s3 =	sor.u32 s3, s4  }
0x6: {  	s2 =	sadd.s32 $0xA0BE00, s5;
	[sflag:s6] =	ssyncpa.u1 $0x0;
	s8 =	ssub.s32 $0x20000, s3  }
.Ltmp0:
0x7: {  	s4 =	sadd.s32 $0xA33E00, s5;
	s7 =	sand.u32 $0xF800, s8;
	(pc) =	sbr.rel .LBB2_1-.Ltmp0, $4  }
0x8: {  	s5 =	sadd.s32 $0xA43E00, s5;
	s11 =	smov.u32 s3;
	p0 =	sne.s32 s7, $0x0  }
0x9: {  	s8 =	sshrl.u32 s8, $0x10;
	s7 =	simm.s32 $0x2;
	s9 =	simm.s32 @!p0 $0x0  }
0xa: {  	[sflag:s7] =	ssyncpa.u1 $0x0;
	p0 =	por $0x0, $0x0;
	s8 =	sadd.s32 s9, s8  }
0xb: {  	vm0 =	vmmov $0xffff;
	[sflag:s10] =	ssyncpa.u1 $0x0;
	s10 =	simm.s32 $0x0;
	s9 =	sadd.s32 $0x1, s8  }
.LBB2_4:
0xc: {  	vm1 =	veq.s32 v0, $0x80000000;
	v63 =	vand.u32 $0x3FF, v0;
	v2 =	vand.u32 $0x3FF, v2  }
0xd: {  	v0 =	vsel vm1, $0xFFFFFFFF, v63;
	v2 =	vsel vm1, $0xFFFFFFFF, v2  }
0xe: {  	v3 =	vshll.u32 v0, $0xA;
	v4 =	vshll.u32 v2, $0x3  }
0xf: {  	v0 =	vshll.u32 v0, $0x7;
	v3 =	vand.u32 $0xFFFFE000, v3;
	v4 =	vand.u32 $0xFFFFFC00, v4  }
0x10: {  	v0 =	vand.u32 $0x380, v0;
	v3 =	vadd.s32 v3, v4  }
0x11: {  	v2 =	vand.u32 $0x7F, v2;
	v0 =	vor.u32 v0, v3  }
0x12: {  	v0 =	vor.u32 v2, v0;
	_ =	sdelay $0x1  }
0x13: {  	(ifvalue) =	ssetifvalue $0x7FFFFFFF;
	s14 =	sadd.s32 $0x10, s14  }
0x14: {  	[tilespmem:s14], [sflag:$0x1] =	stream.indirect_vreg.gather [hbm4b:s2+s10], $0x1, v1, vm0, $0x4038;
	[tilespmem:$0x2000] =	vst v63  }
0x15: {  	(ifvalue) =	ssetifvalue $0x7FFFFFFF;
	s14 =	sadd.s32 $0x10, s14  }
0x16: {  	[tilespmem:s14], [sflag:$0x1] =	stream.indirect_vreg.gather [hbm4b:s2+s10], $0x1, v0, vm0, $0x4038;
	[tilespmem:$0x2000] =	vst v63  }
0x17: {  	_ =	swait.ge [sflag:s6], $0x800  }
0x18: {  	s30 =	sshrl.u32 s13, $0x3;
	[sflag:s6] =	ssyncset.done $0x0  }
0x19: {  	s31 =	sand.u32 $0x7, s13;
	s14 =	sadd.s32 s5, s30;
	[sflag:s6] =	ssyncadd.s32 $0xFFFFF800  }
0x1a: {  	[hbm4b:s14+s31] =	stream.linear.scatter [tilespmem:s15], [sflag:$0x3], $0x800, $0x38;
	[tilespmem:$0x2000] =	vst v63  }
.LBB2_5:
0x1b: {  	s15 =	sadd.s32 $0x10000, s11  }
0x1c: {  	p2 =	sgt.s32 s15, $0x1FFFF  }
0x1d: {  	s15 =	smov.u32 @p2 s3;
	p2 =	sne.s32 s12, s9  }
.Ltmp1:
0x1e: {  	p1 =	slt.u32 s12, $0x2;
	(pc) =	sbr.rel @!p2 .LBB2_6-.Ltmp1, $4  }
0x1f: {  	s14 =	simm.s32 @!p1 $0x3  }
0x20: {  	s16 =	sadd.s32 $0x1, s12;
	_ =	swait.ge @!p1 [sflag:s14], $0x800  }
0x21: {  	s13 =	smov.u32 s11;
	p0 =	por !p0, !p0;
	[sflag:s14] =	ssyncset.done @!p1 $0x0  }
0x22: {  	s12 =	smov.u32 s16;
	s11 =	smov.u32 s15;
	[sflag:s14] =	ssyncadd.s32 @!p1 $0xFFFFF800  }
.LBB2_1:
0x23: {  	p1 =	sge.u32 s12, s8  }
0x24: {  	s14 =	sxor.u32 @!p1 $0xFFFFFFFF, s12  }
0x25: {  	s31 =	sadd.s32 $0xFFFFFFFF, s12;
	s15 =	sshrl.u32 @!p1 s11, $0x3;
	s14 =	sshll.u32 @!p1 s14, $0xB  }
0x26: {  	s16 =	sand.u32 @!p1 $0x7, s11;
	s15 =	sadd.s32 @!p1 s4, s15;
	s14 =	sand.u32 @!p1 $0x800, s14  }
0x27: {  	[tilespmem:s14], [sflag:$0x2] =	stream.linear.gather @!p1 [hbm4b:s15+s16], $0x800, $0x38;
	[tilespmem:$0x2000] =	vst v63  }
0x28: {  	p1 =	sge.u32 s31, s8  }
.Ltmp2:
0x29: {  	_ = 	snop;
	(pc) =	sbr.rel @p1 .LBB2_5-.Ltmp2, $1  }
0x2a: {  	_ =	sdelay $0x3  }
0x2b: {  	s14 =	simm.s32 $0x1  }
0x2c: {  	_ =	swait.ge [sflag:s7], $0x800;
	s14 =	simm.s32 @!p0 $0x0  }
0x2d: {  	[sflag:s7] =	ssyncset.done $0x0;
	s14 =	sshll.u32 s14, $0xB  }
0x2e: {  	[sflag:s7] =	ssyncadd.s32 $0xFFFFF800;
	(ifvalue) =	ssetifvalue $0x7FFFFFFF;
	v0 =	vld.msk [tilespmem:s14+$0x0 ss:$0x1], $0xffff;
	_ =	sdelay $0x3  }
0x2f: {  	s15 =	sadd.s32 $0x10, s14  }
0x30: {  	v2 =	vld.msk [tilespmem:s15+$0x0 ss:$0x1], $0xffff;
	v1 =	vshrl.u32 v0, $0xA  }
0x31: {  	vm1 =	veq.s32 v0, $0x80000000;
	v0 =	vand.u32 $0x3FF, v0;
	v1 =	vand.u32 $0x3FF, v1  }
0x32: {  	v0 =	vsel vm1, $0xFFFFFFFF, v0;
	v1 =	vsel vm1, $0xFFFFFFFF, v1  }
0x33: {  	v3 =	vshll.u32 v0, $0xA;
	v4 =	vshll.u32 v1, $0x3  }
0x34: {  	v0 =	vshll.u32 v0, $0x7;
	v3 =	vand.u32 $0xFFFFE000, v3;
	v4 =	vand.u32 $0xFFFFFC00, v4  }
0x35: {  	vm1 =	veq.s32 v2, $0x80000000;
	v0 =	vand.u32 $0x380, v0;
	v3 =	vadd.s32 v3, v4  }
0x36: {  	v1 =	vand.u32 $0x7F, v1;
	v0 =	vor.u32 v0, v3;
	v3 =	vshrl.u32 v2, $0xA  }
0x37: {  	s17 =	sadd.s32 $0x10, s15;
	v2 =	vand.u32 $0x3FF, v2;
	v1 =	vor.u32 v1, v0;
	v3 =	vand.u32 $0x3FF, v3  }
0x38: {  	v0 =	vld.msk [tilespmem:s17+$0x0 ss:$0x1], $0xffff;
	v2 =	vsel vm1, $0xFFFFFFFF, v2;
	v3 =	vsel vm1, $0xFFFFFFFF, v3  }
0x39: {  	v63 =	vshll.u32 v2, $0xA;
	v5 =	vshll.u32 v3, $0x3  }
0x3a: {  	s31 =	sshll.u32 s12, $0xB;
	v2 =	vshll.u32 v2, $0x7;
	v4 =	vand.u32 $0xFFFFE000, v63;
	v5 =	vand.u32 $0xFFFFFC00, v5  }
0x3b: {  	s14 =	sor.u32 $0x1000, s14;
	s15 =	sand.u32 $0x800, s31;
	(ifvalue) =	ssetifvalue $0x7FFFFFFF;
	v2 =	vand.u32 $0x380, v2;
	v4 =	vadd.s32 v4, v5  }
0x3c: {  	[tilespmem:s14], [sflag:$0x1] =	stream.indirect_vreg.gather [hbm4b:s2+s10], $0x1, v1, vm0, $0x4038;
	v1 =	vand.u32 $0x7F, v3;
	v3 =	vor.u32 v2, v4;
	[tilespmem:$0x2000] =	vst v63  }
0x3d: {  	s16 =	simm.s32 $0x20;
	s15 =	sor.u32 $0x1000, s15;
	s17 =	sadd.s32 $0x10, s17;
	v2 =	vshrl.u32 v0, $0xA;
	v1 =	vor.u32 v1, v3  }
.LBB2_3:
0x3e: {  	s16 =	sadd.s32 $0x10, s16;
	vm1 =	veq.s32 v0, $0x80000000;
	v3 =	vand.u32 $0x3FF, v0;
	v0 =	vld.msk [tilespmem:s17+$0x0 ss:$0x1], $0xffff;
	v2 =	vand.u32 $0x3FF, v2  }
0x3f: {  	p1 =	slt.u32 s16, $0x7F0;
	v3 =	vsel vm1, $0xFFFFFFFF, v3;
	v2 =	vsel vm1, $0xFFFFFFFF, v2  }
.Ltmp3:
0x40: {  	v4 =	vshll.u32 v3, $0xA;
	v5 =	vshll.u32 v2, $0x3;
	(pc) =	sbr.rel @p1 .LBB2_3-.Ltmp3, $4  }
0x41: {  	s14 =	sadd.s32 $0x10, s14;
	v3 =	vshll.u32 v3, $0x7;
	v4 =	vand.u32 $0xFFFFE000, v4;
	v5 =	vand.u32 $0xFFFFFC00, v5;
	(ifvalue) =	ssetifvalue $0x7FFFFFFF  }
0x42: {  	v3 =	vand.u32 $0x380, v3;
	v4 =	vadd.s32 v4, v5;
	[tilespmem:s14], [sflag:$0x1] =	stream.indirect_vreg.gather [hbm4b:s2+s10], $0x1, v1, vm0, $0x4038;
	[tilespmem:$0x2000] =	vst v63  }
0x43: {  	v1 =	vand.u32 $0x7F, v2;
	v3 =	vor.u32 v3, v4  }
0x44: {  	s17 =	sadd.s32 $0x10, s17;
	v2 =	vshrl.u32 v0, $0xA;
	v1 =	vor.u32 v1, v3  }
.Ltmp4:
0x45: {  	_ = 	snop;
	(pc) =	sbr.rel .LBB2_4-.Ltmp4, $1  }
0x46: {  	_ =	sdelay $0x3  }
.LBB2_6:
0x47: {  	_ =	sfence.sel $0x180000  }
0x48: {  	s2 =	simm.s32 $0x2;
	[bflag:$0x0] =	sbarrier.arrive $0xFFFF  }
0x49: {  	s30 =	simm.s32 $0x3;
	[sflag:s2] =	ssyncpa.u1 $0x1  }
0x4a: {  	s31 =	simm.s32 $0x1;
	[sflag:s30] =	ssyncpa.u1 $0x1  }
0x4b: {  	[sflag:s31] =	ssyncpa.u1 $0x1  }
0x4c: {  	p0 =	sne.s32 s1, $0x0;
	_ =	strace $0x90000050  }
0x4d: {  	s0 =	sadd.s32 @!p0 $0x100000, s0;
	[bflag:$0x2] =	sbarrier.arrive $0xFFFF  }
0x4e: {  	[sflag:s0] =	ssyncadd.tile.s32 @!p0 $0x1;
	_ =	shalt  }
.Lfunc_end2:
_tile_overlayer_lowered:
.L_overlay_start_2:
0x4f: {  	(tag) =	ssettag $0x2  }
0x50: {  	s0 =	rddreg [dreg:$0x0];
	s2 =	stileid.u32  }
0x51: {  	s1 =	rddreg [dreg:$0x1];
	p0 =	sne.s32 s2, $0x0  }
0x52: {  	s3 =	rddreg [dreg:$0x2];
	[bflag:$0x3] =	sbarrier.arrive $0xFFFF;
	s2 =	simm.s32 @!p0 $0x1C01  }
0x53: {  	[timem:s3], [sflag:s2] =	dma.local @!p0 [hbm:s0], s1  }
0x54: {  	s0 =	simm.s32 @!p0 $0x1  }
0x55: {  	_ =	swait.ge @!p0 [sflag:s0], s1  }
0x56: {  	s1 =	ssub.s32 @!p0 $0x0, s1;
	[sflag:s0] =	ssyncset.done @!p0 $0x0  }
0x57: {  	[sflag:s0] =	ssyncadd.s32 @!p0 s1  }
0x58: {  	[bflag:$0x3] =	sbarrier.arrive $0xFFFF  }
0x59: {  	_ =	shalt  }

// kernel: gather_offload_async_start.6
scs
__scs_entry_jumppad:
0x0: {  	(pc) =	sbr.rel $0x88, $3  }
0x1: {  	(tag) =	ssettag $0x0;
	lr =	simm.s32 $0x1  }
0x2: {  	[smem:$0x3F9F] =	sst lr;
	_ =	strace $0xD0000000  }
0x3: {  	_ = 	snop  }
0x4: {  	_ = 	snop  }
0x5: {  	_ = 	snop  }
0x6: {  	_ = 	snop  }
0x7: {  	_ = 	snop  }
__scs_overlays_trampoline_lowered:
0x8: {  	[smem:$0x3FAE] =	sst s0  }
0x9: {  	[smem:$0x3FAF] =	sst s1  }
0xa: {  	[smem:$0x3FB0] =	sst s2  }
0xb: {  	[smem:$0x3FB1] =	sst s3  }
0xc: {  	[smem:$0x3FB2] =	sst s4  }
0xd: {  	[smem:$0x3FB3] =	sst s5  }
0xe: {  	[smem:$0x3FB4] =	sst s6  }
0xf: {  	[smem:$0x3FB5] =	sst s7  }
0x10: {  	[smem:$0x3FB6] =	sst s8  }
0x11: {  	[smem:$0x3FB7] =	sst s9;
	s0 =	simm.s32 @!p0 $0x0  }
0x12: {  	s1 =	sld [smem:$0x3F9D];
	s0 =	simm.s32 @p0 $0x1  }
0x13: {  	[smem:$0x3FB8] =	sst s0;
	s0 =	simm.s32 @!p1 $0x0  }
0x14: {  	s2 =	sld [smem:$0x3F9C];
	s0 =	simm.s32 @p1 $0x1  }
0x15: {  	[smem:$0x3FB9] =	sst s0;
	s0 =	simm.s32 @!p2 $0x0  }
0x16: {  	s3 =	sld [smem:$0x3FDB];
	s0 =	simm.s32 @p2 $0x1  }
0x17: {  	s4 =	simm.s32 $0x1BF5;
	[smem:$0x3FBB] =	sst s0  }
0x18: {  	s0 =	sld [smem:$0x3F9E];
	_ =	swait.ge [sflag:s4], $0x0  }
0x19: {  	s7 =	sld [smem:$0x3F9F]  }
0x1a: {  	s8 =	sadd.s32 $0xFFFFE003, lr  }
0x1b: {  	s9 =	sadd.s32 $0xFFFFFEF7, lr;
	s5 =	simm.s32 $0xFFFFFFFF;
	p2 =	slt.u32 s8, $0xFFFFF086  }
0x1c: {  	p1 =	slt.u32 s9, $0xF7A;
	s5 =	simm.s32 @!p2 $0x0  }
0x1d: {  	s5 =	simm.s32 @p1 $0x1;
	p0 =	seq.s32 s7, s2  }
0x1e: {  	s7 =	smul.u32 @!p0 $0xF7A, s2;
	p2 =	seq.s32 @!p0 s5, $0x0  }
0x1f: {  	s9 =	smul.u32 $0xF7A, s1;
	s8 =	simm.s32 @!p0 $0x1BF5;
	p2 =	por !p2, p0  }
0x20: {  	[sflag:s8] =	ssyncset.s32 @!p0 $0xFFFFF086;
	s6 =	sadd.s32 @!p0 s3, s7;
	s7 =	simm.s32 @!p0 $0x108  }
0x21: {  	s3 =	sadd.s32 s3, s9;
	s6 =	sadd.s32 @!p0 $0x88, s6;
	s7 =	simm.s32 @p2 $0x1082  }
0x22: {  	[simem:s7], [sflag:s8] =	dma.local @!p0 [hbm:s6], $0xF7A  }
0x23: {  	s9 =	sor.u32 $0xD0000000, s2;
	s6 =	simm.s32 $0x108;
	_ =	swait.ge @!p0 [sflag:s8], $0x0  }
0x24: {  	s3 =	sadd.s32 $0x88, s3;
	s6 =	simm.s32 @!p1 $0x1082;
	[sflag:s4] =	ssyncset.s32 $0xFFFFF086  }
0x25: {  	[simem:s6], [sflag:s4] =	dma.local [hbm:s3], $0xF7A  }
0x26: {  	[smem:$0x3F9F] =	sst s1;
	(tag) =	ssettag s2;
	_ =	strace s9  }
0x27: {  	s1 =	sld [smem:$0x3FAF]  }
0x28: {  	s2 =	sld [smem:$0x3FB0]  }
0x29: {  	s4 =	sld [smem:$0x3FB2]  }
0x2a: {  	p0 =	seq.s32 s5, $0x0;
	s5 =	sld [smem:$0x3FB3]  }
0x2b: {  	s6 =	sld [smem:$0x3FB4]  }
0x2c: {  	s7 =	sld [smem:$0x3FB5]  }
0x2d: {  	s3 =	simm.s32 $0x108;
	s8 =	sld [smem:$0x3FB6]  }
0x2e: {  	s3 =	simm.s32 @!p0 $0x1082;
	s9 =	sld [smem:$0x3FB7]  }
0x2f: {  	lr =	sadd.s32 s0, s3;
	s0 =	sld [smem:$0x3FAE]  }
0x30: {  	s3 =	sld [smem:$0x3FB1]  }
0x31: {  	[smem:$0x3FBA] =	sst s10  }
0x32: {  	s10 =	sld [smem:$0x3FB8];
	_ =	sdelay $0x3  }
0x33: {  	p0 =	seq.s32 s10, $0x1;
	s10 =	sld [smem:$0x3FBA];
	_ =	sdelay $0x3  }
0x34: {  	[smem:$0x3FBA] =	sst s10  }
0x35: {  	s10 =	sld [smem:$0x3FB9];
	_ =	sdelay $0x3  }
0x36: {  	p1 =	seq.s32 s10, $0x1;
	s10 =	sld [smem:$0x3FBA];
	_ =	sdelay $0x3  }
0x37: {  	[smem:$0x3FBA] =	sst s10  }
0x38: {  	s10 =	sld [smem:$0x3FBB]  }
0x39: {  	_ = 	snop;
	(pc) =	sbr.ind lr, $3  }
0x3a: {  	_ = 	snop  }
0x3b: {  	_ = 	snop  }
0x3c: {  	p2 =	seq.s32 s10, $0x1;
	s10 =	sld [smem:$0x3FBA]  }
0x3d: {  	_ =	shalt  }
0x3e: {  	_ =	shalt  }
0x3f: {  	_ =	shalt  }
0x40: {  	_ =	shalt  }
0x41: {  	_ =	shalt  }
0x42: {  	_ =	shalt  }
0x43: {  	_ =	shalt  }
0x44: {  	_ =	shalt  }
0x45: {  	_ =	shalt  }
0x46: {  	_ =	shalt  }
0x47: {  	_ =	shalt  }
0x48: {  	_ =	shalt  }
0x49: {  	_ =	shalt  }
0x4a: {  	_ =	shalt  }
0x4b: {  	_ =	shalt  }
0x4c: {  	_ =	shalt  }
0x4d: {  	_ =	shalt  }
0x4e: {  	_ =	shalt  }
0x4f: {  	_ =	shalt  }
0x50: {  	_ =	shalt  }
0x51: {  	_ =	shalt  }
0x52: {  	_ =	shalt  }
0x53: {  	_ =	shalt  }
0x54: {  	_ =	shalt  }
0x55: {  	_ =	shalt  }
0x56: {  	_ =	shalt  }
0x57: {  	_ =	shalt  }
0x58: {  	_ =	shalt  }
0x59: {  	_ =	shalt  }
0x5a: {  	_ =	shalt  }
0x5b: {  	_ =	shalt  }
0x5c: {  	_ =	shalt  }
0x5d: {  	_ =	shalt  }
0x5e: {  	_ =	shalt  }
0x5f: {  	_ =	shalt  }
0x60: {  	_ =	shalt  }
0x61: {  	_ =	shalt  }
0x62: {  	_ =	shalt  }
0x63: {  	_ =	shalt  }
0x64: {  	_ =	shalt  }
0x65: {  	_ =	shalt  }
0x66: {  	_ =	shalt  }
0x67: {  	_ =	shalt  }
0x68: {  	_ =	shalt  }
0x69: {  	_ =	shalt  }
0x6a: {  	_ =	shalt  }
0x6b: {  	_ =	shalt  }
0x6c: {  	_ =	shalt  }
0x6d: {  	_ =	shalt  }
0x6e: {  	_ =	shalt  }
0x6f: {  	_ =	shalt  }
0x70: {  	_ =	shalt  }
0x71: {  	_ =	shalt  }
0x72: {  	_ =	shalt  }
0x73: {  	_ =	shalt  }
0x74: {  	_ =	shalt  }
0x75: {  	_ =	shalt  }
0x76: {  	_ =	shalt  }
0x77: {  	_ =	shalt  }
0x78: {  	_ =	shalt  }
0x79: {  	_ =	shalt  }
0x7a: {  	_ =	shalt  }
0x7b: {  	_ =	shalt  }
0x7c: {  	_ =	shalt  }
0x7d: {  	_ =	shalt  }
0x7e: {  	_ =	shalt  }
0x7f: {  	_ =	shalt  }
0x80: {  	_ =	shalt  }
0x81: {  	_ =	shalt  }
0x82: {  	_ =	shalt  }
0x83: {  	_ =	shalt  }
0x84: {  	_ =	shalt  }
0x85: {  	_ =	shalt  }
0x86: {  	_ =	shalt  }
0x87: {  	_ =	shalt  }
.Lfunc_end0:
.L_simem_size_0:
called_computation.7_lowered:
.L_overlay_start_0:
0x88: {  	s2 =	sld [smem:$0x3FD9]  }
0x89: {  	s3 =	sld [smem:$0x3FFE];
	_ =	sdelay $0x1  }
0x8a: {  	s1 =	srdreg.scid  }
0x8b: {  	s0 =	sand.u32 $0x1, s1  }
0x8c: {  	s17 =	sshll.u32 s0, $0xA;
	s2 =	sadd.s32 s3, s2  }
0x8d: {  	s2 =	sadd.s32 s2, s17  }
0x8e: {  	[smem:$0x3FC6] =	sst s2  }
0x8f: {  	_ = 	snop  }
0x90: {  	(tm) =	ssettm $0x1  }
0x91: {  	s18 =	sld [smem:$0x3FFB];
	_ =	sdelay $0x3  }
0x92: {  	_ =	strace s18  }
0x93: {  	s2 =	sld [smem:$0x3FFC];
	_ =	sdelay $0x3  }
0x94: {  	_ =	strace s2  }
0x95: {  	s2 =	sld [smem:$0x3FFD];
	_ =	sdelay $0x3  }
0x96: {  	_ =	strace s2  }
0x97: {  	_ =	strace $0x8FFFFFFF  }
0x98: {  	s19 =	sld [smem:$0x3FDB];
	_ =	sdelay $0x1  }
0x99: {  	s20 =	simm.s32 $_scs_section_size  }
0x9a: {  	s4 =	simm.s32 $_size__tile_overlayer_lowered;
	s5 =	simm.s32 $_tile_overlayer_lowered  }
0x9b: {  	s6 =	simm.s32 $0x1BFF;
	s21 =	sshll.u32 s5, $0x1;
	s3 =	sadd.s32 s20, s19  }
0x9c: {  	s22 =	simm.s32 $0x0;
	s4 =	sshll.u32 s4, $0x1;
	s5 =	sadd.s32 s21, s3  }
0x9d: {  	[timem:s22], [sflag:s6] =	dma.local [hbm:s5], s4  }
0x9e: {  	_ =	swait.ge [sflag:s6], s4  }
0x9f: {  	s4 =	ssub.s32 $0x0, s4;
	[sflag:s6] =	ssyncset.done $0x0  }
0xa0: {  	[sflag:s6] =	ssyncadd.s32 s4;
	_ =	sdelay $0x1  }
0xa1: {  	s23 =	simm.s32 $0x1B8B  }
0xa2: {  	_ =	swait.ge [sflag:s23], $0x1  }
0xa3: {  	[sflag:s23] =	ssyncset.done $0x0  }
0xa4: {  	[sflag:s23] =	ssyncadd.s32 $0xFFFFFFFF  }
0xa5: {  	s4 =	sld [smem:$0x0]  }
0xa6: {  	s5 =	sand.u32 $0xFFFFFFFE, s1  }
0xa7: {  	p0 =	sne.s32 s1, s5  }
0xa8: {  	s5 =	sshll.u32 @p0 s5, $0xE  }
0xa9: {  	s5 =	sadd.s32 @p0 $0x11B8D, s5;
	s6 =	sshll.u32 @p0 s4, $0x11  }
0xaa: {  	s5 =	sor.u32 @p0 s6, s5  }
0xab: {  	[sflag:s5] =	ssyncadd.remote.s32 @p0 $0x1;
	_ =	sdelay $0x1  }
0xac: {  	s5 =	simm.s32 @p0 $0x1B8D  }
0xad: {  	_ =	swait.eq @p0 [sflag:s5], $0x1  }
0xae: {  	[sflag:s5] =	ssyncadd.s32 @p0 $0xFFFFFFFF  }
0xaf: {  	s6 =	sshll.u32 @!p0 s1, $0xE  }
0xb0: {  	s6 =	sor.u32 @!p0 $0x4000, s6;
	s5 =	simm.s32 @!p0 $0x1B8D  }
0xb1: {  	s4 =	sshll.u32 @!p0 s4, $0x11;
	s6 =	sadd.s32 @!p0 $0x11B8D, s6;
	_ =	swait.eq @!p0 [sflag:s5], $0x1  }
0xb2: {  	s4 =	sor.u32 @!p0 s4, s6;
	[sflag:s5] =	ssyncadd.s32 @!p0 $0xFFFFFFFF  }
0xb3: {  	s25 =	simm.s32 $0x1B8E;
	s24 =	sld [smem:$0x3FFE];
	[sflag:s4] =	ssyncadd.remote.s32 @!p0 $0x1  }
0xb4: {  	s26 =	simm.s32 $execute0_lowered;
	[smem:$0x3FD2] =	sst s25  }
0xb5: {  	s5 =	sshll.u32 s26, $0x1;
	_ =	strace $0x8000004C;
	[dreg:$0x1] =	wrdreg $0xFFFFFFFF  }
0xb6: {  	s28 =	simm.s32 $_size_execute0_lowered;
	s3 =	sadd.s32 s3, s5;
	[dreg:$0x0] =	wrdreg $0x0  }
0xb7: {  	s5 =	sshll.u32 s28, $0x1;
	[dreg:$0x2] =	wrdreg s3  }
0xb8: {  	[dreg:$0x3] =	wrdreg s5  }
0xb9: {  	[dreg:$0x4] =	wrdreg $0xC0  }
0xba: {  	_ =	task [dreg:s22], $0x5FFFF  }
0xbb: {  	[dreg:$0x1] =	wrdreg $0xFFFFFFFF  }
0xbc: {  	[dreg:$0x0] =	wrdreg $0x60  }
0xbd: {  	[dreg:$0x2] =	wrdreg s24  }
0xbe: {  	[dreg:$0x3] =	wrdreg $0xC  }
0xbf: {  	_ =	task.clear_ibuf [dreg:s22], $0x4FFFF;
	_ =	strace $0x9000004C  }
0xc0: {  	s29 =	simm.s32 $0xC;
	_ =	strace $0x8000004E  }
0xc1: {  	_ =	swait.ge [sflag:s29], $0x1  }
0xc2: {  	[sflag:s29] =	ssyncadd.s32 $0xFFFFFFFF  }
0xc3: {  	_ =	strace $0x9000004E  }
0xc4: {  	_ =	sfence  }
0xc5: {  	s30 =	sld [smem:$0x0];
	_ =	sdelay $0x2  }
0xc6: {  	s31 =	sshll.u32 s1, $0xD;
	s1 =	sshrl.u32 s1, $0x2  }
0xc7: {  	s4 =	sand.u32 $0x4000, s31;
	s1 =	sadd.s32 s1, s30  }
0xc8: {  	s0 =	sor.u32 s4, s0;
	s1 =	sshll.u32 s1, $0x11  }
0xc9: {  	s0 =	sor.u32 s1, s0  }
0xca: {  	s0 =	sadd.s32 $0x8F2B, s0  }
0xcb: {  	[sflag:s0] =	ssyncadd.remote.s32 $0x1  }
0xcc: {  	_ =	sfence.sel $0xFFFF  }
0xcd: {  	[dreg:$0x0] =	wrdreg $0xFFFFFFFF;
	(pc) =	sbr.abs _section_cstart, $3  }
0xce: {  	[dreg:$0x1] =	wrdreg $0xFFFFFFFF  }
0xcf: {  	_ =	task.clear_ibuf [dreg:s22], $0x2FFFF;
	_ =	strace $0x9FFFFFFF  }
0xd0: {  	(tm) =	ssettm $0x7FFFFFFF  }
0xd1: {  	_ =	shalt  }
tec
execute0_lowered:
.L_overlay_start_1:
0x0: {  	(tag) =	ssettag $0x1  }
0x1: {  	s0 =	srdreg.scid;
	s5 =	rddreg [dreg:$0x0]  }
0x2: {  	s1 =	stileid.u32;
	s6 =	simm.s32 $0x1;
	s9 =	simm.s32 $0x1  }
0x3: {  	s10 =	simm.s32 $0x3;
	s13 =	simm.s32 $0x0;
	s2 =	sshll.u32 s0, $0xB  }
0x4: {  	s12 =	simm.s32 $0x0;
	s3 =	sshll.u32 s1, $0xC;
	s4 =	sand.u32 $0x800, s2  }
0x5: {  	s0 =	rddreg [dreg:$0x1];
	_ =	strace $0x8000004D;
	s3 =	sor.u32 s3, s4  }
0x6: {  	s2 =	sadd.s32 $0xA0BE00, s5;
	[sflag:s6] =	ssyncpa.u1 $0x0;
	s8 =	ssub.s32 $0x20000, s3  }
.Ltmp0:
0x7: {  	s4 =	sadd.s32 $0xA2FE00, s5;
	s7 =	sand.u32 $0xF800, s8;
	(pc) =	sbr.rel .LBB2_1-.Ltmp0, $4  }
0x8: {  	s5 =	sadd.s32 $0xA3FE00, s5;
	s11 =	smov.u32 s3;
	p0 =	sne.s32 s7, $0x0  }
0x9: {  	s8 =	sshrl.u32 s8, $0x10;
	s7 =	simm.s32 $0x2;
	s9 =	simm.s32 @!p0 $0x0  }
0xa: {  	[sflag:s7] =	ssyncpa.u1 $0x0;
	p0 =	por $0x0, $0x0;
	s8 =	sadd.s32 s9, s8  }
0xb: {  	vm0 =	vmmov $0xffff;
	[sflag:s10] =	ssyncpa.u1 $0x0;
	s10 =	simm.s32 $0x0;
	s9 =	sadd.s32 $0x1, s8  }
.LBB2_4:
0xc: {  	vm1 =	veq.s32 v0, $0x80000000;
	v63 =	vand.u32 $0x3FF, v0;
	v2 =	vand.u32 $0x3FF, v2  }
0xd: {  	v0 =	vsel vm1, $0xFFFFFFFF, v63;
	v2 =	vsel vm1, $0xFFFFFFFF, v2  }
0xe: {  	v3 =	vshll.u32 v0, $0xA;
	v4 =	vshll.u32 v2, $0x3  }
0xf: {  	v0 =	vshll.u32 v0, $0x7;
	v3 =	vand.u32 $0xFFFFE000, v3;
	v4 =	vand.u32 $0xFFFFFC00, v4  }
0x10: {  	v0 =	vand.u32 $0x380, v0;
	v3 =	vadd.s32 v3, v4  }
0x11: {  	v2 =	vand.u32 $0x7F, v2;
	v0 =	vor.u32 v0, v3  }
0x12: {  	v0 =	vor.u32 v2, v0;
	_ =	sdelay $0x1  }
0x13: {  	(ifvalue) =	ssetifvalue $0x7FFFFFFF;
	s14 =	sadd.s32 $0x10, s14  }
0x14: {  	[tilespmem:s14], [sflag:$0x1] =	stream.indirect_vreg.gather [hbm4b:s2+s10], $0x1, v1, vm0, $0x4038;
	[tilespmem:$0x2000] =	vst v63  }
0x15: {  	(ifvalue) =	ssetifvalue $0x7FFFFFFF;
	s14 =	sadd.s32 $0x10, s14  }
0x16: {  	[tilespmem:s14], [sflag:$0x1] =	stream.indirect_vreg.gather [hbm4b:s2+s10], $0x1, v0, vm0, $0x4038;
	[tilespmem:$0x2000] =	vst v63  }
0x17: {  	_ =	swait.ge [sflag:s6], $0x800  }
0x18: {  	s30 =	sshrl.u32 s13, $0x3;
	[sflag:s6] =	ssyncset.done $0x0  }
0x19: {  	s31 =	sand.u32 $0x7, s13;
	s14 =	sadd.s32 s5, s30;
	[sflag:s6] =	ssyncadd.s32 $0xFFFFF800  }
0x1a: {  	[hbm4b:s14+s31] =	stream.linear.scatter [tilespmem:s15], [sflag:$0x3], $0x800, $0x38;
	[tilespmem:$0x2000] =	vst v63  }
.LBB2_5:
0x1b: {  	s15 =	sadd.s32 $0x10000, s11  }
0x1c: {  	p2 =	sgt.s32 s15, $0x1FFFF  }
0x1d: {  	s15 =	smov.u32 @p2 s3;
	p2 =	sne.s32 s12, s9  }
.Ltmp1:
0x1e: {  	p1 =	slt.u32 s12, $0x2;
	(pc) =	sbr.rel @!p2 .LBB2_6-.Ltmp1, $4  }
0x1f: {  	s14 =	simm.s32 @!p1 $0x3  }
0x20: {  	s16 =	sadd.s32 $0x1, s12;
	_ =	swait.ge @!p1 [sflag:s14], $0x800  }
0x21: {  	s13 =	smov.u32 s11;
	p0 =	por !p0, !p0;
	[sflag:s14] =	ssyncset.done @!p1 $0x0  }
0x22: {  	s12 =	smov.u32 s16;
	s11 =	smov.u32 s15;
	[sflag:s14] =	ssyncadd.s32 @!p1 $0xFFFFF800  }
.LBB2_1:
0x23: {  	p1 =	sge.u32 s12, s8  }
0x24: {  	s14 =	sxor.u32 @!p1 $0xFFFFFFFF, s12  }
0x25: {  	s31 =	sadd.s32 $0xFFFFFFFF, s12;
	s15 =	sshrl.u32 @!p1 s11, $0x3;
	s14 =	sshll.u32 @!p1 s14, $0xB  }
0x26: {  	s16 =	sand.u32 @!p1 $0x7, s11;
	s15 =	sadd.s32 @!p1 s4, s15;
	s14 =	sand.u32 @!p1 $0x800, s14  }
0x27: {  	[tilespmem:s14], [sflag:$0x2] =	stream.linear.gather @!p1 [hbm4b:s15+s16], $0x800, $0x38;
	[tilespmem:$0x2000] =	vst v63  }
0x28: {  	p1 =	sge.u32 s31, s8  }
.Ltmp2:
0x29: {  	_ = 	snop;
	(pc) =	sbr.rel @p1 .LBB2_5-.Ltmp2, $1  }
0x2a: {  	_ =	sdelay $0x3  }
0x2b: {  	s14 =	simm.s32 $0x1  }
0x2c: {  	_ =	swait.ge [sflag:s7], $0x800;
	s14 =	simm.s32 @!p0 $0x0  }
0x2d: {  	[sflag:s7] =	ssyncset.done $0x0;
	s14 =	sshll.u32 s14, $0xB  }
0x2e: {  	[sflag:s7] =	ssyncadd.s32 $0xFFFFF800;
	(ifvalue) =	ssetifvalue $0x7FFFFFFF;
	v0 =	vld.msk [tilespmem:s14+$0x0 ss:$0x1], $0xffff;
	_ =	sdelay $0x3  }
0x2f: {  	s15 =	sadd.s32 $0x10, s14  }
0x30: {  	v2 =	vld.msk [tilespmem:s15+$0x0 ss:$0x1], $0xffff;
	v1 =	vshrl.u32 v0, $0xA  }
0x31: {  	vm1 =	veq.s32 v0, $0x80000000;
	v0 =	vand.u32 $0x3FF, v0;
	v1 =	vand.u32 $0x3FF, v1  }
0x32: {  	v0 =	vsel vm1, $0xFFFFFFFF, v0;
	v1 =	vsel vm1, $0xFFFFFFFF, v1  }
0x33: {  	v3 =	vshll.u32 v0, $0xA;
	v4 =	vshll.u32 v1, $0x3  }
0x34: {  	v0 =	vshll.u32 v0, $0x7;
	v3 =	vand.u32 $0xFFFFE000, v3;
	v4 =	vand.u32 $0xFFFFFC00, v4  }
0x35: {  	vm1 =	veq.s32 v2, $0x80000000;
	v0 =	vand.u32 $0x380, v0;
	v3 =	vadd.s32 v3, v4  }
0x36: {  	v1 =	vand.u32 $0x7F, v1;
	v0 =	vor.u32 v0, v3;
	v3 =	vshrl.u32 v2, $0xA  }
0x37: {  	s17 =	sadd.s32 $0x10, s15;
	v2 =	vand.u32 $0x3FF, v2;
	v1 =	vor.u32 v1, v0;
	v3 =	vand.u32 $0x3FF, v3  }
0x38: {  	v0 =	vld.msk [tilespmem:s17+$0x0 ss:$0x1], $0xffff;
	v2 =	vsel vm1, $0xFFFFFFFF, v2;
	v3 =	vsel vm1, $0xFFFFFFFF, v3  }
0x39: {  	v63 =	vshll.u32 v2, $0xA;
	v5 =	vshll.u32 v3, $0x3  }
0x3a: {  	s31 =	sshll.u32 s12, $0xB;
	v2 =	vshll.u32 v2, $0x7;
	v4 =	vand.u32 $0xFFFFE000, v63;
	v5 =	vand.u32 $0xFFFFFC00, v5  }
0x3b: {  	s14 =	sor.u32 $0x1000, s14;
	s15 =	sand.u32 $0x800, s31;
	(ifvalue) =	ssetifvalue $0x7FFFFFFF;
	v2 =	vand.u32 $0x380, v2;
	v4 =	vadd.s32 v4, v5  }
0x3c: {  	[tilespmem:s14], [sflag:$0x1] =	stream.indirect_vreg.gather [hbm4b:s2+s10], $0x1, v1, vm0, $0x4038;
	v1 =	vand.u32 $0x7F, v3;
	v3 =	vor.u32 v2, v4;
	[tilespmem:$0x2000] =	vst v63  }
0x3d: {  	s16 =	simm.s32 $0x20;
	s15 =	sor.u32 $0x1000, s15;
	s17 =	sadd.s32 $0x10, s17;
	v2 =	vshrl.u32 v0, $0xA;
	v1 =	vor.u32 v1, v3  }
.LBB2_3:
0x3e: {  	s16 =	sadd.s32 $0x10, s16;
	vm1 =	veq.s32 v0, $0x80000000;
	v3 =	vand.u32 $0x3FF, v0;
	v0 =	vld.msk [tilespmem:s17+$0x0 ss:$0x1], $0xffff;
	v2 =	vand.u32 $0x3FF, v2  }
0x3f: {  	p1 =	slt.u32 s16, $0x7F0;
	v3 =	vsel vm1, $0xFFFFFFFF, v3;
	v2 =	vsel vm1, $0xFFFFFFFF, v2  }
.Ltmp3:
0x40: {  	v4 =	vshll.u32 v3, $0xA;
	v5 =	vshll.u32 v2, $0x3;
	(pc) =	sbr.rel @p1 .LBB2_3-.Ltmp3, $4  }
0x41: {  	s14 =	sadd.s32 $0x10, s14;
	v3 =	vshll.u32 v3, $0x7;
	v4 =	vand.u32 $0xFFFFE000, v4;
	v5 =	vand.u32 $0xFFFFFC00, v5;
	(ifvalue) =	ssetifvalue $0x7FFFFFFF  }
0x42: {  	v3 =	vand.u32 $0x380, v3;
	v4 =	vadd.s32 v4, v5;
	[tilespmem:s14], [sflag:$0x1] =	stream.indirect_vreg.gather [hbm4b:s2+s10], $0x1, v1, vm0, $0x4038;
	[tilespmem:$0x2000] =	vst v63  }
0x43: {  	v1 =	vand.u32 $0x7F, v2;
	v3 =	vor.u32 v3, v4  }
0x44: {  	s17 =	sadd.s32 $0x10, s17;
	v2 =	vshrl.u32 v0, $0xA;
	v1 =	vor.u32 v1, v3  }
.Ltmp4:
0x45: {  	_ = 	snop;
	(pc) =	sbr.rel .LBB2_4-.Ltmp4, $1  }
0x46: {  	_ =	sdelay $0x3  }
.LBB2_6:
0x47: {  	_ =	sfence.sel $0x180000  }
0x48: {  	s2 =	simm.s32 $0x2;
	[bflag:$0x0] =	sbarrier.arrive $0xFFFF  }
0x49: {  	s30 =	simm.s32 $0x3;
	[sflag:s2] =	ssyncpa.u1 $0x1  }
0x4a: {  	s31 =	simm.s32 $0x1;
	[sflag:s30] =	ssyncpa.u1 $0x1  }
0x4b: {  	[sflag:s31] =	ssyncpa.u1 $0x1  }
0x4c: {  	p0 =	sne.s32 s1, $0x0;
	_ =	strace $0x9000004D  }
0x4d: {  	s0 =	sadd.s32 @!p0 $0x100000, s0;
	[bflag:$0x2] =	sbarrier.arrive $0xFFFF  }
0x4e: {  	[sflag:s0] =	ssyncadd.tile.s32 @!p0 $0x1;
	_ =	shalt  }
.Lfunc_end2:
_tile_overlayer_lowered:
.L_overlay_start_2:
0x4f: {  	(tag) =	ssettag $0x2  }
0x50: {  	s0 =	rddreg [dreg:$0x0];
	s2 =	stileid.u32  }
0x51: {  	s1 =	rddreg [dreg:$0x1];
	p0 =	sne.s32 s2, $0x0  }
0x52: {  	s3 =	rddreg [dreg:$0x2];
	[bflag:$0x3] =	sbarrier.arrive $0xFFFF;
	s2 =	simm.s32 @!p0 $0x1C01  }
0x53: {  	[timem:s3], [sflag:s2] =	dma.local @!p0 [hbm:s0], s1  }
0x54: {  	s0 =	simm.s32 @!p0 $0x1  }
0x55: {  	_ =	swait.ge @!p0 [sflag:s0], s1  }
0x56: {  	s1 =	ssub.s32 @!p0 $0x0, s1;
	[sflag:s0] =	ssyncset.done @!p0 $0x0  }
0x57: {  	[sflag:s0] =	ssyncadd.s32 @!p0 s1  }
0x58: {  	[bflag:$0x3] =	sbarrier.arrive $0xFFFF  }
0x59: {  	_ =	shalt  }

// kernel: gather_offload_async_start.7
scs
__scs_entry_jumppad:
0x0: {  	(pc) =	sbr.rel $0x88, $3  }
0x1: {  	(tag) =	ssettag $0x0;
	lr =	simm.s32 $0x1  }
0x2: {  	[smem:$0x3F9F] =	sst lr;
	_ =	strace $0xD0000000  }
0x3: {  	_ = 	snop  }
0x4: {  	_ = 	snop  }
0x5: {  	_ = 	snop  }
0x6: {  	_ = 	snop  }
0x7: {  	_ = 	snop  }
__scs_overlays_trampoline_lowered:
0x8: {  	[smem:$0x3FAE] =	sst s0  }
0x9: {  	[smem:$0x3FAF] =	sst s1  }
0xa: {  	[smem:$0x3FB0] =	sst s2  }
0xb: {  	[smem:$0x3FB1] =	sst s3  }
0xc: {  	[smem:$0x3FB2] =	sst s4  }
0xd: {  	[smem:$0x3FB3] =	sst s5  }
0xe: {  	[smem:$0x3FB4] =	sst s6  }
0xf: {  	[smem:$0x3FB5] =	sst s7  }
0x10: {  	[smem:$0x3FB6] =	sst s8  }
0x11: {  	[smem:$0x3FB7] =	sst s9;
	s0 =	simm.s32 @!p0 $0x0  }
0x12: {  	s1 =	sld [smem:$0x3F9D];
	s0 =	simm.s32 @p0 $0x1  }
0x13: {  	[smem:$0x3FB8] =	sst s0;
	s0 =	simm.s32 @!p1 $0x0  }
0x14: {  	s2 =	sld [smem:$0x3F9C];
	s0 =	simm.s32 @p1 $0x1  }
0x15: {  	[smem:$0x3FB9] =	sst s0;
	s0 =	simm.s32 @!p2 $0x0  }
0x16: {  	s3 =	sld [smem:$0x3FDB];
	s0 =	simm.s32 @p2 $0x1  }
0x17: {  	s4 =	simm.s32 $0x1BF5;
	[smem:$0x3FBB] =	sst s0  }
0x18: {  	s0 =	sld [smem:$0x3F9E];
	_ =	swait.ge [sflag:s4], $0x0  }
0x19: {  	s7 =	sld [smem:$0x3F9F]  }
0x1a: {  	s8 =	sadd.s32 $0xFFFFE003, lr  }
0x1b: {  	s9 =	sadd.s32 $0xFFFFFEF7, lr;
	s5 =	simm.s32 $0xFFFFFFFF;
	p2 =	slt.u32 s8, $0xFFFFF086  }
0x1c: {  	p1 =	slt.u32 s9, $0xF7A;
	s5 =	simm.s32 @!p2 $0x0  }
0x1d: {  	s5 =	simm.s32 @p1 $0x1;
	p0 =	seq.s32 s7, s2  }
0x1e: {  	s7 =	smul.u32 @!p0 $0xF7A, s2;
	p2 =	seq.s32 @!p0 s5, $0x0  }
0x1f: {  	s9 =	smul.u32 $0xF7A, s1;
	s8 =	simm.s32 @!p0 $0x1BF5;
	p2 =	por !p2, p0  }
0x20: {  	[sflag:s8] =	ssyncset.s32 @!p0 $0xFFFFF086;
	s6 =	sadd.s32 @!p0 s3, s7;
	s7 =	simm.s32 @!p0 $0x108  }
0x21: {  	s3 =	sadd.s32 s3, s9;
	s6 =	sadd.s32 @!p0 $0x88, s6;
	s7 =	simm.s32 @p2 $0x1082  }
0x22: {  	[simem:s7], [sflag:s8] =	dma.local @!p0 [hbm:s6], $0xF7A  }
0x23: {  	s9 =	sor.u32 $0xD0000000, s2;
	s6 =	simm.s32 $0x108;
	_ =	swait.ge @!p0 [sflag:s8], $0x0  }
0x24: {  	s3 =	sadd.s32 $0x88, s3;
	s6 =	simm.s32 @!p1 $0x1082;
	[sflag:s4] =	ssyncset.s32 $0xFFFFF086  }
0x25: {  	[simem:s6], [sflag:s4] =	dma.local [hbm:s3], $0xF7A  }
0x26: {  	[smem:$0x3F9F] =	sst s1;
	(tag) =	ssettag s2;
	_ =	strace s9  }
0x27: {  	s1 =	sld [smem:$0x3FAF]  }
0x28: {  	s2 =	sld [smem:$0x3FB0]  }
0x29: {  	s4 =	sld [smem:$0x3FB2]  }
0x2a: {  	p0 =	seq.s32 s5, $0x0;
	s5 =	sld [smem:$0x3FB3]  }
0x2b: {  	s6 =	sld [smem:$0x3FB4]  }
0x2c: {  	s7 =	sld [smem:$0x3FB5]  }
0x2d: {  	s3 =	simm.s32 $0x108;
	s8 =	sld [smem:$0x3FB6]  }
0x2e: {  	s3 =	simm.s32 @!p0 $0x1082;
	s9 =	sld [smem:$0x3FB7]  }
0x2f: {  	lr =	sadd.s32 s0, s3;
	s0 =	sld [smem:$0x3FAE]  }
0x30: {  	s3 =	sld [smem:$0x3FB1]  }
0x31: {  	[smem:$0x3FBA] =	sst s10  }
0x32: {  	s10 =	sld [smem:$0x3FB8];
	_ =	sdelay $0x3  }
0x33: {  	p0 =	seq.s32 s10, $0x1;
	s10 =	sld [smem:$0x3FBA];
	_ =	sdelay $0x3  }
0x34: {  	[smem:$0x3FBA] =	sst s10  }
0x35: {  	s10 =	sld [smem:$0x3FB9];
	_ =	sdelay $0x3  }
0x36: {  	p1 =	seq.s32 s10, $0x1;
	s10 =	sld [smem:$0x3FBA];
	_ =	sdelay $0x3  }
0x37: {  	[smem:$0x3FBA] =	sst s10  }
0x38: {  	s10 =	sld [smem:$0x3FBB]  }
0x39: {  	_ = 	snop;
	(pc) =	sbr.ind lr, $3  }
0x3a: {  	_ = 	snop  }
0x3b: {  	_ = 	snop  }
0x3c: {  	p2 =	seq.s32 s10, $0x1;
	s10 =	sld [smem:$0x3FBA]  }
0x3d: {  	_ =	shalt  }
0x3e: {  	_ =	shalt  }
0x3f: {  	_ =	shalt  }
0x40: {  	_ =	shalt  }
0x41: {  	_ =	shalt  }
0x42: {  	_ =	shalt  }
0x43: {  	_ =	shalt  }
0x44: {  	_ =	shalt  }
0x45: {  	_ =	shalt  }
0x46: {  	_ =	shalt  }
0x47: {  	_ =	shalt  }
0x48: {  	_ =	shalt  }
0x49: {  	_ =	shalt  }
0x4a: {  	_ =	shalt  }
0x4b: {  	_ =	shalt  }
0x4c: {  	_ =	shalt  }
0x4d: {  	_ =	shalt  }
0x4e: {  	_ =	shalt  }
0x4f: {  	_ =	shalt  }
0x50: {  	_ =	shalt  }
0x51: {  	_ =	shalt  }
0x52: {  	_ =	shalt  }
0x53: {  	_ =	shalt  }
0x54: {  	_ =	shalt  }
0x55: {  	_ =	shalt  }
0x56: {  	_ =	shalt  }
0x57: {  	_ =	shalt  }
0x58: {  	_ =	shalt  }
0x59: {  	_ =	shalt  }
0x5a: {  	_ =	shalt  }
0x5b: {  	_ =	shalt  }
0x5c: {  	_ =	shalt  }
0x5d: {  	_ =	shalt  }
0x5e: {  	_ =	shalt  }
0x5f: {  	_ =	shalt  }
0x60: {  	_ =	shalt  }
0x61: {  	_ =	shalt  }
0x62: {  	_ =	shalt  }
0x63: {  	_ =	shalt  }
0x64: {  	_ =	shalt  }
0x65: {  	_ =	shalt  }
0x66: {  	_ =	shalt  }
0x67: {  	_ =	shalt  }
0x68: {  	_ =	shalt  }
0x69: {  	_ =	shalt  }
0x6a: {  	_ =	shalt  }
0x6b: {  	_ =	shalt  }
0x6c: {  	_ =	shalt  }
0x6d: {  	_ =	shalt  }
0x6e: {  	_ =	shalt  }
0x6f: {  	_ =	shalt  }
0x70: {  	_ =	shalt  }
0x71: {  	_ =	shalt  }
0x72: {  	_ =	shalt  }
0x73: {  	_ =	shalt  }
0x74: {  	_ =	shalt  }
0x75: {  	_ =	shalt  }
0x76: {  	_ =	shalt  }
0x77: {  	_ =	shalt  }
0x78: {  	_ =	shalt  }
0x79: {  	_ =	shalt  }
0x7a: {  	_ =	shalt  }
0x7b: {  	_ =	shalt  }
0x7c: {  	_ =	shalt  }
0x7d: {  	_ =	shalt  }
0x7e: {  	_ =	shalt  }
0x7f: {  	_ =	shalt  }
0x80: {  	_ =	shalt  }
0x81: {  	_ =	shalt  }
0x82: {  	_ =	shalt  }
0x83: {  	_ =	shalt  }
0x84: {  	_ =	shalt  }
0x85: {  	_ =	shalt  }
0x86: {  	_ =	shalt  }
0x87: {  	_ =	shalt  }
.Lfunc_end0:
.L_simem_size_0:
called_computation.8_lowered:
.L_overlay_start_0:
0x88: {  	s2 =	sld [smem:$0x3FD9]  }
0x89: {  	s3 =	sld [smem:$0x3FFE];
	_ =	sdelay $0x1  }
0x8a: {  	s1 =	srdreg.scid  }
0x8b: {  	s0 =	sand.u32 $0x1, s1  }
0x8c: {  	s17 =	sshll.u32 s0, $0xA;
	s2 =	sadd.s32 s3, s2  }
0x8d: {  	s2 =	sadd.s32 s2, s17  }
0x8e: {  	[smem:$0x3FC6] =	sst s2  }
0x8f: {  	_ = 	snop  }
0x90: {  	(tm) =	ssettm $0x1  }
0x91: {  	s18 =	sld [smem:$0x3FFB];
	_ =	sdelay $0x3  }
0x92: {  	_ =	strace s18  }
0x93: {  	s2 =	sld [smem:$0x3FFC];
	_ =	sdelay $0x3  }
0x94: {  	_ =	strace s2  }
0x95: {  	s2 =	sld [smem:$0x3FFD];
	_ =	sdelay $0x3  }
0x96: {  	_ =	strace s2  }
0x97: {  	_ =	strace $0x8FFFFFFF  }
0x98: {  	s19 =	sld [smem:$0x3FDB];
	_ =	sdelay $0x1  }
0x99: {  	s20 =	simm.s32 $_scs_section_size  }
0x9a: {  	s4 =	simm.s32 $_size__tile_overlayer_lowered;
	s5 =	simm.s32 $_tile_overlayer_lowered  }
0x9b: {  	s6 =	simm.s32 $0x1BFF;
	s21 =	sshll.u32 s5, $0x1;
	s3 =	sadd.s32 s20, s19  }
0x9c: {  	s22 =	simm.s32 $0x0;
	s4 =	sshll.u32 s4, $0x1;
	s5 =	sadd.s32 s21, s3  }
0x9d: {  	[timem:s22], [sflag:s6] =	dma.local [hbm:s5], s4  }
0x9e: {  	_ =	swait.ge [sflag:s6], s4  }
0x9f: {  	s4 =	ssub.s32 $0x0, s4;
	[sflag:s6] =	ssyncset.done $0x0  }
0xa0: {  	[sflag:s6] =	ssyncadd.s32 s4;
	_ =	sdelay $0x1  }
0xa1: {  	s23 =	simm.s32 $0x1B8B  }
0xa2: {  	_ =	swait.ge [sflag:s23], $0x1  }
0xa3: {  	[sflag:s23] =	ssyncset.done $0x0  }
0xa4: {  	[sflag:s23] =	ssyncadd.s32 $0xFFFFFFFF  }
0xa5: {  	s4 =	sld [smem:$0x0]  }
0xa6: {  	s5 =	sand.u32 $0xFFFFFFFE, s1  }
0xa7: {  	p0 =	sne.s32 s1, s5  }
0xa8: {  	s5 =	sshll.u32 @p0 s5, $0xE  }
0xa9: {  	s5 =	sadd.s32 @p0 $0x11B8D, s5;
	s6 =	sshll.u32 @p0 s4, $0x11  }
0xaa: {  	s5 =	sor.u32 @p0 s6, s5  }
0xab: {  	[sflag:s5] =	ssyncadd.remote.s32 @p0 $0x1;
	_ =	sdelay $0x1  }
0xac: {  	s5 =	simm.s32 @p0 $0x1B8D  }
0xad: {  	_ =	swait.eq @p0 [sflag:s5], $0x1  }
0xae: {  	[sflag:s5] =	ssyncadd.s32 @p0 $0xFFFFFFFF  }
0xaf: {  	s6 =	sshll.u32 @!p0 s1, $0xE  }
0xb0: {  	s6 =	sor.u32 @!p0 $0x4000, s6;
	s5 =	simm.s32 @!p0 $0x1B8D  }
0xb1: {  	s4 =	sshll.u32 @!p0 s4, $0x11;
	s6 =	sadd.s32 @!p0 $0x11B8D, s6;
	_ =	swait.eq @!p0 [sflag:s5], $0x1  }
0xb2: {  	s4 =	sor.u32 @!p0 s4, s6;
	[sflag:s5] =	ssyncadd.s32 @!p0 $0xFFFFFFFF  }
0xb3: {  	s25 =	simm.s32 $0x1B8E;
	s24 =	sld [smem:$0x3FFE];
	[sflag:s4] =	ssyncadd.remote.s32 @!p0 $0x1  }
0xb4: {  	s26 =	simm.s32 $execute0_lowered;
	[smem:$0x3FD2] =	sst s25  }
0xb5: {  	s5 =	sshll.u32 s26, $0x1;
	_ =	strace $0x80000049;
	[dreg:$0x1] =	wrdreg $0xFFFFFFFF  }
0xb6: {  	s28 =	simm.s32 $_size_execute0_lowered;
	s3 =	sadd.s32 s3, s5;
	[dreg:$0x0] =	wrdreg $0x0  }
0xb7: {  	s5 =	sshll.u32 s28, $0x1;
	[dreg:$0x2] =	wrdreg s3  }
0xb8: {  	[dreg:$0x3] =	wrdreg s5  }
0xb9: {  	[dreg:$0x4] =	wrdreg $0xC0  }
0xba: {  	_ =	task [dreg:s22], $0x5FFFF  }
0xbb: {  	[dreg:$0x1] =	wrdreg $0xFFFFFFFF  }
0xbc: {  	[dreg:$0x0] =	wrdreg $0x60  }
0xbd: {  	[dreg:$0x2] =	wrdreg s24  }
0xbe: {  	[dreg:$0x3] =	wrdreg $0xD  }
0xbf: {  	_ =	task.clear_ibuf [dreg:s22], $0x4FFFF;
	_ =	strace $0x90000049  }
0xc0: {  	s29 =	simm.s32 $0xD;
	_ =	strace $0x8000004B  }
0xc1: {  	_ =	swait.ge [sflag:s29], $0x1  }
0xc2: {  	[sflag:s29] =	ssyncadd.s32 $0xFFFFFFFF  }
0xc3: {  	_ =	strace $0x9000004B  }
0xc4: {  	_ =	sfence  }
0xc5: {  	s30 =	sld [smem:$0x0];
	_ =	sdelay $0x2  }
0xc6: {  	s31 =	sshll.u32 s1, $0xD;
	s1 =	sshrl.u32 s1, $0x2  }
0xc7: {  	s4 =	sand.u32 $0x4000, s31;
	s1 =	sadd.s32 s1, s30  }
0xc8: {  	s0 =	sor.u32 s4, s0;
	s1 =	sshll.u32 s1, $0x11  }
0xc9: {  	s0 =	sor.u32 s1, s0  }
0xca: {  	s0 =	sadd.s32 $0x8F2B, s0  }
0xcb: {  	[sflag:s0] =	ssyncadd.remote.s32 $0x1  }
0xcc: {  	_ =	sfence.sel $0xFFFF  }
0xcd: {  	[dreg:$0x0] =	wrdreg $0xFFFFFFFF;
	(pc) =	sbr.abs _section_cstart, $3  }
0xce: {  	[dreg:$0x1] =	wrdreg $0xFFFFFFFF  }
0xcf: {  	_ =	task.clear_ibuf [dreg:s22], $0x2FFFF;
	_ =	strace $0x9FFFFFFF  }
0xd0: {  	(tm) =	ssettm $0x7FFFFFFF  }
0xd1: {  	_ =	shalt  }
tec
execute0_lowered:
.L_overlay_start_1:
0x0: {  	(tag) =	ssettag $0x1  }
0x1: {  	s0 =	srdreg.scid;
	s5 =	rddreg [dreg:$0x0]  }
0x2: {  	s1 =	stileid.u32;
	s6 =	simm.s32 $0x1;
	s9 =	simm.s32 $0x1  }
0x3: {  	s10 =	simm.s32 $0x3;
	s13 =	simm.s32 $0x0;
	s2 =	sshll.u32 s0, $0xB  }
0x4: {  	s12 =	simm.s32 $0x0;
	s3 =	sshll.u32 s1, $0xC;
	s4 =	sand.u32 $0x800, s2  }
0x5: {  	s0 =	rddreg [dreg:$0x1];
	_ =	strace $0x8000004A;
	s3 =	sor.u32 s3, s4  }
0x6: {  	s2 =	sadd.s32 $0xA0BE00, s5;
	[sflag:s6] =	ssyncpa.u1 $0x0;
	s8 =	ssub.s32 $0x20000, s3  }
.Ltmp0:
0x7: {  	s4 =	sadd.s32 $0xA2BE00, s5;
	s7 =	sand.u32 $0xF800, s8;
	(pc) =	sbr.rel .LBB2_1-.Ltmp0, $4  }
0x8: {  	s5 =	sadd.s32 $0xA3BE00, s5;
	s11 =	smov.u32 s3;
	p0 =	sne.s32 s7, $0x0  }
0x9: {  	s8 =	sshrl.u32 s8, $0x10;
	s7 =	simm.s32 $0x2;
	s9 =	simm.s32 @!p0 $0x0  }
0xa: {  	[sflag:s7] =	ssyncpa.u1 $0x0;
	p0 =	por $0x0, $0x0;
	s8 =	sadd.s32 s9, s8  }
0xb: {  	vm0 =	vmmov $0xffff;
	[sflag:s10] =	ssyncpa.u1 $0x0;
	s10 =	simm.s32 $0x0;
	s9 =	sadd.s32 $0x1, s8  }
.LBB2_4:
0xc: {  	vm1 =	veq.s32 v0, $0x80000000;
	v63 =	vand.u32 $0x3FF, v0;
	v2 =	vand.u32 $0x3FF, v2  }
0xd: {  	v0 =	vsel vm1, $0xFFFFFFFF, v63;
	v2 =	vsel vm1, $0xFFFFFFFF, v2  }
0xe: {  	v3 =	vshll.u32 v0, $0xA;
	v4 =	vshll.u32 v2, $0x3  }
0xf: {  	v0 =	vshll.u32 v0, $0x7;
	v3 =	vand.u32 $0xFFFFE000, v3;
	v4 =	vand.u32 $0xFFFFFC00, v4  }
0x10: {  	v0 =	vand.u32 $0x380, v0;
	v3 =	vadd.s32 v3, v4  }
0x11: {  	v2 =	vand.u32 $0x7F, v2;
	v0 =	vor.u32 v0, v3  }
0x12: {  	v0 =	vor.u32 v2, v0;
	_ =	sdelay $0x1  }
0x13: {  	(ifvalue) =	ssetifvalue $0x7FFFFFFF;
	s14 =	sadd.s32 $0x10, s14  }
0x14: {  	[tilespmem:s14], [sflag:$0x1] =	stream.indirect_vreg.gather [hbm4b:s2+s10], $0x1, v1, vm0, $0x4038;
	[tilespmem:$0x2000] =	vst v63  }
0x15: {  	(ifvalue) =	ssetifvalue $0x7FFFFFFF;
	s14 =	sadd.s32 $0x10, s14  }
0x16: {  	[tilespmem:s14], [sflag:$0x1] =	stream.indirect_vreg.gather [hbm4b:s2+s10], $0x1, v0, vm0, $0x4038;
	[tilespmem:$0x2000] =	vst v63  }
0x17: {  	_ =	swait.ge [sflag:s6], $0x800  }
0x18: {  	s30 =	sshrl.u32 s13, $0x3;
	[sflag:s6] =	ssyncset.done $0x0  }
0x19: {  	s31 =	sand.u32 $0x7, s13;
	s14 =	sadd.s32 s5, s30;
	[sflag:s6] =	ssyncadd.s32 $0xFFFFF800  }
0x1a: {  	[hbm4b:s14+s31] =	stream.linear.scatter [tilespmem:s15], [sflag:$0x3], $0x800, $0x38;
	[tilespmem:$0x2000] =	vst v63  }
.LBB2_5:
0x1b: {  	s15 =	sadd.s32 $0x10000, s11  }
0x1c: {  	p2 =	sgt.s32 s15, $0x1FFFF  }
0x1d: {  	s15 =	smov.u32 @p2 s3;
	p2 =	sne.s32 s12, s9  }
.Ltmp1:
0x1e: {  	p1 =	slt.u32 s12, $0x2;
	(pc) =	sbr.rel @!p2 .LBB2_6-.Ltmp1, $4  }
0x1f: {  	s14 =	simm.s32 @!p1 $0x3  }
0x20: {  	s16 =	sadd.s32 $0x1, s12;
	_ =	swait.ge @!p1 [sflag:s14], $0x800  }
0x21: {  	s13 =	smov.u32 s11;
	p0 =	por !p0, !p0;
	[sflag:s14] =	ssyncset.done @!p1 $0x0  }
0x22: {  	s12 =	smov.u32 s16;
	s11 =	smov.u32 s15;
	[sflag:s14] =	ssyncadd.s32 @!p1 $0xFFFFF800  }
.LBB2_1:
0x23: {  	p1 =	sge.u32 s12, s8  }
0x24: {  	s14 =	sxor.u32 @!p1 $0xFFFFFFFF, s12  }
0x25: {  	s31 =	sadd.s32 $0xFFFFFFFF, s12;
	s15 =	sshrl.u32 @!p1 s11, $0x3;
	s14 =	sshll.u32 @!p1 s14, $0xB  }
0x26: {  	s16 =	sand.u32 @!p1 $0x7, s11;
	s15 =	sadd.s32 @!p1 s4, s15;
	s14 =	sand.u32 @!p1 $0x800, s14  }
0x27: {  	[tilespmem:s14], [sflag:$0x2] =	stream.linear.gather @!p1 [hbm4b:s15+s16], $0x800, $0x38;
	[tilespmem:$0x2000] =	vst v63  }
0x28: {  	p1 =	sge.u32 s31, s8  }
.Ltmp2:
0x29: {  	_ = 	snop;
	(pc) =	sbr.rel @p1 .LBB2_5-.Ltmp2, $1  }
0x2a: {  	_ =	sdelay $0x3  }
0x2b: {  	s14 =	simm.s32 $0x1  }
0x2c: {  	_ =	swait.ge [sflag:s7], $0x800;
	s14 =	simm.s32 @!p0 $0x0  }
0x2d: {  	[sflag:s7] =	ssyncset.done $0x0;
	s14 =	sshll.u32 s14, $0xB  }
0x2e: {  	[sflag:s7] =	ssyncadd.s32 $0xFFFFF800;
	(ifvalue) =	ssetifvalue $0x7FFFFFFF;
	v0 =	vld.msk [tilespmem:s14+$0x0 ss:$0x1], $0xffff;
	_ =	sdelay $0x3  }
0x2f: {  	s15 =	sadd.s32 $0x10, s14  }
0x30: {  	v2 =	vld.msk [tilespmem:s15+$0x0 ss:$0x1], $0xffff;
	v1 =	vshrl.u32 v0, $0xA  }
0x31: {  	vm1 =	veq.s32 v0, $0x80000000;
	v0 =	vand.u32 $0x3FF, v0;
	v1 =	vand.u32 $0x3FF, v1  }
0x32: {  	v0 =	vsel vm1, $0xFFFFFFFF, v0;
	v1 =	vsel vm1, $0xFFFFFFFF, v1  }
0x33: {  	v3 =	vshll.u32 v0, $0xA;
	v4 =	vshll.u32 v1, $0x3  }
0x34: {  	v0 =	vshll.u32 v0, $0x7;
	v3 =	vand.u32 $0xFFFFE000, v3;
	v4 =	vand.u32 $0xFFFFFC00, v4  }
0x35: {  	vm1 =	veq.s32 v2, $0x80000000;
	v0 =	vand.u32 $0x380, v0;
	v3 =	vadd.s32 v3, v4  }
0x36: {  	v1 =	vand.u32 $0x7F, v1;
	v0 =	vor.u32 v0, v3;
	v3 =	vshrl.u32 v2, $0xA  }
0x37: {  	s17 =	sadd.s32 $0x10, s15;
	v2 =	vand.u32 $0x3FF, v2;
	v1 =	vor.u32 v1, v0;
	v3 =	vand.u32 $0x3FF, v3  }
0x38: {  	v0 =	vld.msk [tilespmem:s17+$0x0 ss:$0x1], $0xffff;
	v2 =	vsel vm1, $0xFFFFFFFF, v2;
	v3 =	vsel vm1, $0xFFFFFFFF, v3  }
0x39: {  	v63 =	vshll.u32 v2, $0xA;
	v5 =	vshll.u32 v3, $0x3  }
0x3a: {  	s31 =	sshll.u32 s12, $0xB;
	v2 =	vshll.u32 v2, $0x7;
	v4 =	vand.u32 $0xFFFFE000, v63;
	v5 =	vand.u32 $0xFFFFFC00, v5  }
0x3b: {  	s14 =	sor.u32 $0x1000, s14;
	s15 =	sand.u32 $0x800, s31;
	(ifvalue) =	ssetifvalue $0x7FFFFFFF;
	v2 =	vand.u32 $0x380, v2;
	v4 =	vadd.s32 v4, v5  }
0x3c: {  	[tilespmem:s14], [sflag:$0x1] =	stream.indirect_vreg.gather [hbm4b:s2+s10], $0x1, v1, vm0, $0x4038;
	v1 =	vand.u32 $0x7F, v3;
	v3 =	vor.u32 v2, v4;
	[tilespmem:$0x2000] =	vst v63  }
0x3d: {  	s16 =	simm.s32 $0x20;
	s15 =	sor.u32 $0x1000, s15;
	s17 =	sadd.s32 $0x10, s17;
	v2 =	vshrl.u32 v0, $0xA;
	v1 =	vor.u32 v1, v3  }
.LBB2_3:
0x3e: {  	s16 =	sadd.s32 $0x10, s16;
	vm1 =	veq.s32 v0, $0x80000000;
	v3 =	vand.u32 $0x3FF, v0;
	v0 =	vld.msk [tilespmem:s17+$0x0 ss:$0x1], $0xffff;
	v2 =	vand.u32 $0x3FF, v2  }
0x3f: {  	p1 =	slt.u32 s16, $0x7F0;
	v3 =	vsel vm1, $0xFFFFFFFF, v3;
	v2 =	vsel vm1, $0xFFFFFFFF, v2  }
.Ltmp3:
0x40: {  	v4 =	vshll.u32 v3, $0xA;
	v5 =	vshll.u32 v2, $0x3;
	(pc) =	sbr.rel @p1 .LBB2_3-.Ltmp3, $4  }
0x41: {  	s14 =	sadd.s32 $0x10, s14;
	v3 =	vshll.u32 v3, $0x7;
	v4 =	vand.u32 $0xFFFFE000, v4;
	v5 =	vand.u32 $0xFFFFFC00, v5;
	(ifvalue) =	ssetifvalue $0x7FFFFFFF  }
0x42: {  	v3 =	vand.u32 $0x380, v3;
	v4 =	vadd.s32 v4, v5;
	[tilespmem:s14], [sflag:$0x1] =	stream.indirect_vreg.gather [hbm4b:s2+s10], $0x1, v1, vm0, $0x4038;
	[tilespmem:$0x2000] =	vst v63  }
0x43: {  	v1 =	vand.u32 $0x7F, v2;
	v3 =	vor.u32 v3, v4  }
0x44: {  	s17 =	sadd.s32 $0x10, s17;
	v2 =	vshrl.u32 v0, $0xA;
	v1 =	vor.u32 v1, v3  }
.Ltmp4:
0x45: {  	_ = 	snop;
	(pc) =	sbr.rel .LBB2_4-.Ltmp4, $1  }
0x46: {  	_ =	sdelay $0x3  }
.LBB2_6:
0x47: {  	_ =	sfence.sel $0x180000  }
0x48: {  	s2 =	simm.s32 $0x2;
	[bflag:$0x0] =	sbarrier.arrive $0xFFFF  }
0x49: {  	s30 =	simm.s32 $0x3;
	[sflag:s2] =	ssyncpa.u1 $0x1  }
0x4a: {  	s31 =	simm.s32 $0x1;
	[sflag:s30] =	ssyncpa.u1 $0x1  }
0x4b: {  	[sflag:s31] =	ssyncpa.u1 $0x1  }
0x4c: {  	p0 =	sne.s32 s1, $0x0;
	_ =	strace $0x9000004A  }
0x4d: {  	s0 =	sadd.s32 @!p0 $0x100000, s0;
	[bflag:$0x2] =	sbarrier.arrive $0xFFFF  }
0x4e: {  	[sflag:s0] =	ssyncadd.tile.s32 @!p0 $0x1;
	_ =	shalt  }
.Lfunc_end2:
_tile_overlayer_lowered:
.L_overlay_start_2:
0x4f: {  	(tag) =	ssettag $0x2  }
0x50: {  	s0 =	rddreg [dreg:$0x0];
	s2 =	stileid.u32  }
0x51: {  	s1 =	rddreg [dreg:$0x1];
	p0 =	sne.s32 s2, $0x0  }
0x52: {  	s3 =	rddreg [dreg:$0x2];
	[bflag:$0x3] =	sbarrier.arrive $0xFFFF;
	s2 =	simm.s32 @!p0 $0x1C01  }
0x53: {  	[timem:s3], [sflag:s2] =	dma.local @!p0 [hbm:s0], s1  }
0x54: {  	s0 =	simm.s32 @!p0 $0x1  }
0x55: {  	_ =	swait.ge @!p0 [sflag:s0], s1  }
0x56: {  	s1 =	ssub.s32 @!p0 $0x0, s1;
	[sflag:s0] =	ssyncset.done @!p0 $0x0  }
0x57: {  	[sflag:s0] =	ssyncadd.s32 @!p0 s1  }
0x58: {  	[bflag:$0x3] =	sbarrier.arrive $0xFFFF  }
0x59: {  	_ =	shalt  }

// kernel: gather_offload_async_start
scs
__scs_entry_jumppad:
0x0: {  	(pc) =	sbr.rel $0x88, $3  }
0x1: {  	(tag) =	ssettag $0x0;
	lr =	simm.s32 $0x1  }
0x2: {  	[smem:$0x3F9F] =	sst lr;
	_ =	strace $0xD0000000  }
0x3: {  	_ = 	snop  }
0x4: {  	_ = 	snop  }
0x5: {  	_ = 	snop  }
0x6: {  	_ = 	snop  }
0x7: {  	_ = 	snop  }
__scs_overlays_trampoline_lowered:
0x8: {  	[smem:$0x3FAE] =	sst s0  }
0x9: {  	[smem:$0x3FAF] =	sst s1  }
0xa: {  	[smem:$0x3FB0] =	sst s2  }
0xb: {  	[smem:$0x3FB1] =	sst s3  }
0xc: {  	[smem:$0x3FB2] =	sst s4  }
0xd: {  	[smem:$0x3FB3] =	sst s5  }
0xe: {  	[smem:$0x3FB4] =	sst s6  }
0xf: {  	[smem:$0x3FB5] =	sst s7  }
0x10: {  	[smem:$0x3FB6] =	sst s8  }
0x11: {  	[smem:$0x3FB7] =	sst s9;
	s0 =	simm.s32 @!p0 $0x0  }
0x12: {  	s1 =	sld [smem:$0x3F9D];
	s0 =	simm.s32 @p0 $0x1  }
0x13: {  	[smem:$0x3FB8] =	sst s0;
	s0 =	simm.s32 @!p1 $0x0  }
0x14: {  	s2 =	sld [smem:$0x3F9C];
	s0 =	simm.s32 @p1 $0x1  }
0x15: {  	[smem:$0x3FB9] =	sst s0;
	s0 =	simm.s32 @!p2 $0x0  }
0x16: {  	s3 =	sld [smem:$0x3FDB];
	s0 =	simm.s32 @p2 $0x1  }
0x17: {  	s4 =	simm.s32 $0x1BF5;
	[smem:$0x3FBB] =	sst s0  }
0x18: {  	s0 =	sld [smem:$0x3F9E];
	_ =	swait.ge [sflag:s4], $0x0  }
0x19: {  	s7 =	sld [smem:$0x3F9F]  }
0x1a: {  	s8 =	sadd.s32 $0xFFFFE003, lr  }
0x1b: {  	s9 =	sadd.s32 $0xFFFFFEF7, lr;
	s5 =	simm.s32 $0xFFFFFFFF;
	p2 =	slt.u32 s8, $0xFFFFF086  }
0x1c: {  	p1 =	slt.u32 s9, $0xF7A;
	s5 =	simm.s32 @!p2 $0x0  }
0x1d: {  	s5 =	simm.s32 @p1 $0x1;
	p0 =	seq.s32 s7, s2  }
0x1e: {  	s7 =	smul.u32 @!p0 $0xF7A, s2;
	p2 =	seq.s32 @!p0 s5, $0x0  }
0x1f: {  	s9 =	smul.u32 $0xF7A, s1;
	s8 =	simm.s32 @!p0 $0x1BF5;
	p2 =	por !p2, p0  }
0x20: {  	[sflag:s8] =	ssyncset.s32 @!p0 $0xFFFFF086;
	s6 =	sadd.s32 @!p0 s3, s7;
	s7 =	simm.s32 @!p0 $0x108  }
0x21: {  	s3 =	sadd.s32 s3, s9;
	s6 =	sadd.s32 @!p0 $0x88, s6;
	s7 =	simm.s32 @p2 $0x1082  }
0x22: {  	[simem:s7], [sflag:s8] =	dma.local @!p0 [hbm:s6], $0xF7A  }
0x23: {  	s9 =	sor.u32 $0xD0000000, s2;
	s6 =	simm.s32 $0x108;
	_ =	swait.ge @!p0 [sflag:s8], $0x0  }
0x24: {  	s3 =	sadd.s32 $0x88, s3;
	s6 =	simm.s32 @!p1 $0x1082;
	[sflag:s4] =	ssyncset.s32 $0xFFFFF086  }
0x25: {  	[simem:s6], [sflag:s4] =	dma.local [hbm:s3], $0xF7A  }
0x26: {  	[smem:$0x3F9F] =	sst s1;
	(tag) =	ssettag s2;
	_ =	strace s9  }
0x27: {  	s1 =	sld [smem:$0x3FAF]  }
0x28: {  	s2 =	sld [smem:$0x3FB0]  }
0x29: {  	s4 =	sld [smem:$0x3FB2]  }
0x2a: {  	p0 =	seq.s32 s5, $0x0;
	s5 =	sld [smem:$0x3FB3]  }
0x2b: {  	s6 =	sld [smem:$0x3FB4]  }
0x2c: {  	s7 =	sld [smem:$0x3FB5]  }
0x2d: {  	s3 =	simm.s32 $0x108;
	s8 =	sld [smem:$0x3FB6]  }
0x2e: {  	s3 =	simm.s32 @!p0 $0x1082;
	s9 =	sld [smem:$0x3FB7]  }
0x2f: {  	lr =	sadd.s32 s0, s3;
	s0 =	sld [smem:$0x3FAE]  }
0x30: {  	s3 =	sld [smem:$0x3FB1]  }
0x31: {  	[smem:$0x3FBA] =	sst s10  }
0x32: {  	s10 =	sld [smem:$0x3FB8];
	_ =	sdelay $0x3  }
0x33: {  	p0 =	seq.s32 s10, $0x1;
	s10 =	sld [smem:$0x3FBA];
	_ =	sdelay $0x3  }
0x34: {  	[smem:$0x3FBA] =	sst s10  }
0x35: {  	s10 =	sld [smem:$0x3FB9];
	_ =	sdelay $0x3  }
0x36: {  	p1 =	seq.s32 s10, $0x1;
	s10 =	sld [smem:$0x3FBA];
	_ =	sdelay $0x3  }
0x37: {  	[smem:$0x3FBA] =	sst s10  }
0x38: {  	s10 =	sld [smem:$0x3FBB]  }
0x39: {  	_ = 	snop;
	(pc) =	sbr.ind lr, $3  }
0x3a: {  	_ = 	snop  }
0x3b: {  	_ = 	snop  }
0x3c: {  	p2 =	seq.s32 s10, $0x1;
	s10 =	sld [smem:$0x3FBA]  }
0x3d: {  	_ =	shalt  }
0x3e: {  	_ =	shalt  }
0x3f: {  	_ =	shalt  }
0x40: {  	_ =	shalt  }
0x41: {  	_ =	shalt  }
0x42: {  	_ =	shalt  }
0x43: {  	_ =	shalt  }
0x44: {  	_ =	shalt  }
0x45: {  	_ =	shalt  }
0x46: {  	_ =	shalt  }
0x47: {  	_ =	shalt  }
0x48: {  	_ =	shalt  }
0x49: {  	_ =	shalt  }
0x4a: {  	_ =	shalt  }
0x4b: {  	_ =	shalt  }
0x4c: {  	_ =	shalt  }
0x4d: {  	_ =	shalt  }
0x4e: {  	_ =	shalt  }
0x4f: {  	_ =	shalt  }
0x50: {  	_ =	shalt  }
0x51: {  	_ =	shalt  }
0x52: {  	_ =	shalt  }
0x53: {  	_ =	shalt  }
0x54: {  	_ =	shalt  }
0x55: {  	_ =	shalt  }
0x56: {  	_ =	shalt  }
0x57: {  	_ =	shalt  }
0x58: {  	_ =	shalt  }
0x59: {  	_ =	shalt  }
0x5a: {  	_ =	shalt  }
0x5b: {  	_ =	shalt  }
0x5c: {  	_ =	shalt  }
0x5d: {  	_ =	shalt  }
0x5e: {  	_ =	shalt  }
0x5f: {  	_ =	shalt  }
0x60: {  	_ =	shalt  }
0x61: {  	_ =	shalt  }
0x62: {  	_ =	shalt  }
0x63: {  	_ =	shalt  }
0x64: {  	_ =	shalt  }
0x65: {  	_ =	shalt  }
0x66: {  	_ =	shalt  }
0x67: {  	_ =	shalt  }
0x68: {  	_ =	shalt  }
0x69: {  	_ =	shalt  }
0x6a: {  	_ =	shalt  }
0x6b: {  	_ =	shalt  }
0x6c: {  	_ =	shalt  }
0x6d: {  	_ =	shalt  }
0x6e: {  	_ =	shalt  }
0x6f: {  	_ =	shalt  }
0x70: {  	_ =	shalt  }
0x71: {  	_ =	shalt  }
0x72: {  	_ =	shalt  }
0x73: {  	_ =	shalt  }
0x74: {  	_ =	shalt  }
0x75: {  	_ =	shalt  }
0x76: {  	_ =	shalt  }
0x77: {  	_ =	shalt  }
0x78: {  	_ =	shalt  }
0x79: {  	_ =	shalt  }
0x7a: {  	_ =	shalt  }
0x7b: {  	_ =	shalt  }
0x7c: {  	_ =	shalt  }
0x7d: {  	_ =	shalt  }
0x7e: {  	_ =	shalt  }
0x7f: {  	_ =	shalt  }
0x80: {  	_ =	shalt  }
0x81: {  	_ =	shalt  }
0x82: {  	_ =	shalt  }
0x83: {  	_ =	shalt  }
0x84: {  	_ =	shalt  }
0x85: {  	_ =	shalt  }
0x86: {  	_ =	shalt  }
0x87: {  	_ =	shalt  }
.Lfunc_end0:
.L_simem_size_0:
called_computation.1_lowered:
.L_overlay_start_0:
0x88: {  	s2 =	sld [smem:$0x3FD9]  }
0x89: {  	s3 =	sld [smem:$0x3FFE];
	_ =	sdelay $0x1  }
0x8a: {  	s1 =	srdreg.scid  }
0x8b: {  	s0 =	sand.u32 $0x1, s1  }
0x8c: {  	s17 =	sshll.u32 s0, $0xA;
	s2 =	sadd.s32 s3, s2  }
0x8d: {  	s2 =	sadd.s32 s2, s17  }
0x8e: {  	[smem:$0x3FC6] =	sst s2  }
0x8f: {  	_ = 	snop  }
0x90: {  	(tm) =	ssettm $0x1  }
0x91: {  	s18 =	sld [smem:$0x3FFB];
	_ =	sdelay $0x3  }
0x92: {  	_ =	strace s18  }
0x93: {  	s2 =	sld [smem:$0x3FFC];
	_ =	sdelay $0x3  }
0x94: {  	_ =	strace s2  }
0x95: {  	s2 =	sld [smem:$0x3FFD];
	_ =	sdelay $0x3  }
0x96: {  	_ =	strace s2  }
0x97: {  	_ =	strace $0x8FFFFFFF  }
0x98: {  	s19 =	sld [smem:$0x3FDB];
	_ =	sdelay $0x1  }
0x99: {  	s20 =	simm.s32 $_scs_section_size  }
0x9a: {  	s4 =	simm.s32 $_size__tile_overlayer_lowered;
	s5 =	simm.s32 $_tile_overlayer_lowered  }
0x9b: {  	s6 =	simm.s32 $0x1BFF;
	s21 =	sshll.u32 s5, $0x1;
	s3 =	sadd.s32 s20, s19  }
0x9c: {  	s22 =	simm.s32 $0x0;
	s4 =	sshll.u32 s4, $0x1;
	s5 =	sadd.s32 s21, s3  }
0x9d: {  	[timem:s22], [sflag:s6] =	dma.local [hbm:s5], s4  }
0x9e: {  	_ =	swait.ge [sflag:s6], s4  }
0x9f: {  	s4 =	ssub.s32 $0x0, s4;
	[sflag:s6] =	ssyncset.done $0x0  }
0xa0: {  	[sflag:s6] =	ssyncadd.s32 s4;
	_ =	sdelay $0x1  }
0xa1: {  	s23 =	simm.s32 $0x1B8B  }
0xa2: {  	_ =	swait.ge [sflag:s23], $0x1  }
0xa3: {  	[sflag:s23] =	ssyncset.done $0x0  }
0xa4: {  	[sflag:s23] =	ssyncadd.s32 $0xFFFFFFFF  }
0xa5: {  	s4 =	sld [smem:$0x0]  }
0xa6: {  	s5 =	sand.u32 $0xFFFFFFFE, s1  }
0xa7: {  	p0 =	sne.s32 s1, s5  }
0xa8: {  	s5 =	sshll.u32 @p0 s5, $0xE  }
0xa9: {  	s5 =	sadd.s32 @p0 $0x11B8D, s5;
	s6 =	sshll.u32 @p0 s4, $0x11  }
0xaa: {  	s5 =	sor.u32 @p0 s6, s5  }
0xab: {  	[sflag:s5] =	ssyncadd.remote.s32 @p0 $0x1;
	_ =	sdelay $0x1  }
0xac: {  	s5 =	simm.s32 @p0 $0x1B8D  }
0xad: {  	_ =	swait.eq @p0 [sflag:s5], $0x1  }
0xae: {  	[sflag:s5] =	ssyncadd.s32 @p0 $0xFFFFFFFF  }
0xaf: {  	s6 =	sshll.u32 @!p0 s1, $0xE  }
0xb0: {  	s6 =	sor.u32 @!p0 $0x4000, s6;
	s5 =	simm.s32 @!p0 $0x1B8D  }
0xb1: {  	s4 =	sshll.u32 @!p0 s4, $0x11;
	s6 =	sadd.s32 @!p0 $0x11B8D, s6;
	_ =	swait.eq @!p0 [sflag:s5], $0x1  }
0xb2: {  	s4 =	sor.u32 @!p0 s4, s6;
	[sflag:s5] =	ssyncadd.s32 @!p0 $0xFFFFFFFF  }
0xb3: {  	s25 =	simm.s32 $0x1B8E;
	s24 =	sld [smem:$0x3FFE];
	[sflag:s4] =	ssyncadd.remote.s32 @!p0 $0x1  }
0xb4: {  	s26 =	simm.s32 $execute0_lowered;
	[smem:$0x3FD2] =	sst s25  }
0xb5: {  	s5 =	sshll.u32 s26, $0x1;
	_ =	strace $0x8000005B;
	[dreg:$0x1] =	wrdreg $0xFFFFFFFF  }
0xb6: {  	s28 =	simm.s32 $_size_execute0_lowered;
	s3 =	sadd.s32 s3, s5;
	[dreg:$0x0] =	wrdreg $0x0  }
0xb7: {  	s5 =	sshll.u32 s28, $0x1;
	[dreg:$0x2] =	wrdreg s3  }
0xb8: {  	[dreg:$0x3] =	wrdreg s5  }
0xb9: {  	[dreg:$0x4] =	wrdreg $0xC0  }
0xba: {  	_ =	task [dreg:s22], $0x5FFFF  }
0xbb: {  	[dreg:$0x1] =	wrdreg $0xFFFFFFFF  }
0xbc: {  	[dreg:$0x0] =	wrdreg $0x60  }
0xbd: {  	[dreg:$0x2] =	wrdreg s24  }
0xbe: {  	[dreg:$0x3] =	wrdreg $0x9  }
0xbf: {  	_ =	task.clear_ibuf [dreg:s22], $0x4FFFF;
	_ =	strace $0x9000005B  }
0xc0: {  	s29 =	simm.s32 $0x9;
	_ =	strace $0x8000005D  }
0xc1: {  	_ =	swait.ge [sflag:s29], $0x1  }
0xc2: {  	[sflag:s29] =	ssyncadd.s32 $0xFFFFFFFF  }
0xc3: {  	_ =	strace $0x9000005D  }
0xc4: {  	_ =	sfence  }
0xc5: {  	s30 =	sld [smem:$0x0];
	_ =	sdelay $0x2  }
0xc6: {  	s31 =	sshll.u32 s1, $0xD;
	s1 =	sshrl.u32 s1, $0x2  }
0xc7: {  	s4 =	sand.u32 $0x4000, s31;
	s1 =	sadd.s32 s1, s30  }
0xc8: {  	s0 =	sor.u32 s4, s0;
	s1 =	sshll.u32 s1, $0x11  }
0xc9: {  	s0 =	sor.u32 s1, s0  }
0xca: {  	s0 =	sadd.s32 $0x8F2B, s0  }
0xcb: {  	[sflag:s0] =	ssyncadd.remote.s32 $0x1  }
0xcc: {  	_ =	sfence.sel $0xFFFF  }
0xcd: {  	[dreg:$0x0] =	wrdreg $0xFFFFFFFF;
	(pc) =	sbr.abs _section_cstart, $3  }
0xce: {  	[dreg:$0x1] =	wrdreg $0xFFFFFFFF  }
0xcf: {  	_ =	task.clear_ibuf [dreg:s22], $0x2FFFF;
	_ =	strace $0x9FFFFFFF  }
0xd0: {  	(tm) =	ssettm $0x7FFFFFFF  }
0xd1: {  	_ =	shalt  }
tec
execute0_lowered:
.L_overlay_start_1:
0x0: {  	(tag) =	ssettag $0x1  }
0x1: {  	s7 =	rddreg [dreg:$0x0]  }
0x2: {  	s0 =	rddreg [dreg:$0x1];
	_ =	strace $0x8000005C  }
0x3: {  	s1 =	srdreg.scid;
	s4 =	simm.s32 $0x1;
	s9 =	simm.s32 $0x3  }
0x4: {  	s11 =	simm.s32 $0x0;
	p0 =	por $0x0, $0x0;
	s5 =	sshll.u32 s1, $0x4  }
.Ltmp0:
0x5: {  	s1 =	stileid.u32;
	s5 =	sand.u32 $0x10, s5;
	(pc) =	sbr.rel .LBB2_1-.Ltmp0, $4  }
0x6: {  	s2 =	sadd.s32 $0xA47E00, s7;
	s3 =	sadd.s32 $0xA13E00, s7;
	s6 =	sor.u32 s1, s5  }
0x7: {  	[sflag:s4] =	ssyncpa.u1 $0x0;
	s5 =	simm.s32 $0x2;
	s6 =	sshll.u32 s6, $0xC  }
0x8: {  	s7 =	sadd.s32 $0x1447E00, s7;
	[sflag:s5] =	ssyncpa.u1 $0x0;
	s8 =	sadd.s32 $0x1000, s6  }
0x9: {  	vm0 =	vmmov $0xff;
	vm1 =	vcmask $0x3F20;
	[sflag:s9] =	ssyncpa.u1 $0x0;
	s10 =	smov.u32 s6;
	s9 =	simm.s32 $0x0  }
.LBB2_8:
0xa: {  	[hbm:s15] =	stream.linear.scatter [tilespmem:s12], [sflag:$0x3], $0x800, $0x38;
	[tilespmem:$0x10100] =	vst v63  }
.LBB2_9:
0xb: {  	p1 =	slt.u32 s9, $0x2;
	s11 =	sadd.s32 $0x80, s10  }
0xc: {  	s13 =	smov.u32 s6;
	s9 =	sadd.s32 $0x1, s9;
	p2 =	slt.s32 s11, s8  }
0xd: {  	s13 =	smov.u32 @p2 s11;
	p2 =	sne.s32 s9, $0x22  }
.Ltmp1:
0xe: {  	_ = 	snop;
	(pc) =	sbr.rel @!p2 .LBB2_10-.Ltmp1, $4  }
0xf: {  	s12 =	simm.s32 @!p1 $0x3  }
0x10: {  	_ =	swait.ge @!p1 [sflag:s12], $0x8000  }
0x11: {  	p0 =	por !p0, !p0;
	[sflag:s12] =	ssyncset.done @!p1 $0x0  }
0x12: {  	s11 =	smov.u32 s10;
	s10 =	smov.u32 s13;
	[sflag:s12] =	ssyncadd.s32 @!p1 $0xFFFF8000  }
.LBB2_1:
0x13: {  	p1 =	sgt.u32 s9, $0x1F  }
0x14: {  	s12 =	sxor.u32 @!p1 $0xFFFFFFFF, s9  }
0x15: {  	s13 =	sshrl.u32 @!p1 s10, $0x3;
	s12 =	sshll.u32 @!p1 s12, $0x7  }
0x16: {  	s14 =	sand.u32 @!p1 $0x7, s10;
	s13 =	sadd.s32 @!p1 s3, s13;
	s12 =	sand.u32 @!p1 $0x80, s12  }
0x17: {  	[tilespmem:s12], [sflag:$0x2] =	stream.linear.gather @!p1 [hbm4b:s13+s14], $0x80, $0x38;
	[tilespmem:$0x10100] =	vst v63  }
0x18: {  	p1 =	seq.s32 s9, $0x0  }
0x19: {  	p2 =	seq.s32 @!p1 s9, $0x21  }
0x1a: {  	p1 =	por p1, p2  }
.Ltmp2:
0x1b: {  	_ = 	snop;
	(pc) =	sbr.rel @p1 .LBB2_9-.Ltmp2, $1  }
0x1c: {  	_ =	sdelay $0x3  }
0x1d: {  	s12 =	simm.s32 $0x1;
	_ =	swait.ge [sflag:s5], $0x80;
	s13 =	sand.u32 $0x1, s9  }
0x1e: {  	s15 =	simm.s32 $0x0;
	s12 =	simm.s32 @!p0 $0x0;
	[sflag:s5] =	ssyncset.done $0x0  }
0x1f: {  	s14 =	sshll.u32 s13, $0xF;
	s13 =	sshll.u32 s13, $0x7;
	s12 =	sshll.u32 s12, $0xF  }
0x20: {  	[sflag:s5] =	ssyncadd.s32 $0xFFFFFF80;
	s14 =	sor.u32 $0x100, s14;
	s12 =	sor.u32 $0x100, s12  }
.LBB2_3:
0x21: {  	s16 =	sshll.u32 s15, $0x4  }
0x22: {  	s16 =	sand.u32 $0x3FFFFFF0, s16  }
0x23: {  	s16 =	sadd.s32 s16, s13  }
0x24: {  	v0 =	vld.msk [tilespmem:s16+$0x0 ss:$0x1], $0xffff;
	_ =	sdelay $0x4  }
0x25: {  	vm2 =	vgt.s32 v0, $0x0  }
0x26: {  	v0 =	vnsel vm2, $0x0, v0  }
0x27: {  	v0 =	vmin.u32 v0, $0xFFFF  }
0x28: {  	s31 =	sshll.u32 s15, $0xC;
	v1 =	vshll.u32 v0, $0x5;
	v0 =	vshll.u32 v0, $0x4  }
0x29: {  	s16 =	sand.u32 $0x3FFFF000, s31;
	v1 =	vand.u32 $0x1FFF00, v1;
	v0 =	vand.u32 $0x70, v0  }
0x2a: {  	p1 =	por $0x1, $0x1;
	s17 =	simm.s32 $0x0;
	s16 =	sadd.s32 s16, s14;
	v0 =	vor.u32 v0, v1  }
.LBB2_4:
0x2b: {  	_ =	sdelay $0x1  }
0x2c: {  	s17 =	sshra.s32 s17, $0x2;
	p2 =	por p1, p1  }
.Ltmp3:
0x2d: {  	s17 =	sadd.s32 s17, s16;
	(pc) =	sbr.rel @p2 .LBB2_4-.Ltmp3, $4  }
0x2e: {  	[tilespmem:s17], [sflag:$0x1] =	stream.indirect_vreg.gather [hbm:s2], $0x80, v0, vm0, $0x38;
	[tilespmem:$0x10100] =	vst v63  }
0x2f: {  	s17 =	sadd.s32 $0x800, s17  }
0x30: {  	[tilespmem:s17], [sflag:$0x1] =	stream.indirect_vreg.gather [hbm:s2], $0x80, v0, vm1, $0x38;
	[tilespmem:$0x10100] =	vst v63  }
0x31: {  	p1 =	por $0x0, $0x0;
	v0 =	vadd.s32 $0x80, v0;
	s17 =	simm.s32 $0x1000  }
0x32: {  	s15 =	sadd.s32 $0x1, s15  }
0x33: {  	p1 =	sne.s32 s15, $0x8  }
.Ltmp4:
0x34: {  	_ = 	snop;
	(pc) =	sbr.rel @p1 .LBB2_3-.Ltmp4, $1  }
0x35: {  	_ =	sdelay $0x3  }
0x36: {  	s13 =	sshll.u32 s11, $0x5  }
0x37: {  	s31 =	sshll.u32 s11, $0x4;
	s13 =	sand.u32 $0xFFFFFF00, s13  }
0x38: {  	_ =	swait.ge [sflag:s4], $0x8000;
	s11 =	sand.u32 $0x70, s31;
	s13 =	sadd.s32 s13, s7  }
0x39: {  	s14 =	sadd.s32 $0x800, s12;
	[sflag:s4] =	ssyncset.done $0x0;
	s11 =	sadd.s32 s11, s13  }
0x3a: {  	[sflag:s4] =	ssyncadd.s32 $0xFFFF8000;
	s13 =	simm.s32 $0x100;
	s15 =	sadd.s32 $0x0, s11  }
.LBB2_7:
0x3b: {  	[hbm:s15] =	stream.linear.scatter [tilespmem:s12], [sflag:$0x3], $0x800, $0x38;
	[tilespmem:$0x10100] =	vst v63  }
0x3c: {  	s15 =	smov.u32 s13;
	s12 =	smov.u32 s14;
	p1 =	sne.s32 s13, $0xF00  }
.Ltmp5:
0x3d: {  	s13 =	sadd.s32 $0x100, s13;
	(pc) =	sbr.rel @p1 .LBB2_7-.Ltmp5, $2  }
0x3e: {  	_ =	sdelay $0x2  }
0x3f: {  	s14 =	sadd.s32 $0x800, s14;
	s15 =	sadd.s32 s15, s11  }
.Ltmp6:
0x40: {  	_ = 	snop;
	(pc) =	sbr.rel .LBB2_8-.Ltmp6, $1  }
0x41: {  	_ =	sdelay $0x3  }
.LBB2_10:
0x42: {  	_ =	sfence.sel $0x180000  }
0x43: {  	s2 =	simm.s32 $0x2;
	[bflag:$0x0] =	sbarrier.arrive $0xFFFF  }
0x44: {  	s30 =	simm.s32 $0x3;
	[sflag:s2] =	ssyncpa.u1 $0x1  }
0x45: {  	s31 =	simm.s32 $0x1;
	[sflag:s30] =	ssyncpa.u1 $0x1  }
0x46: {  	[sflag:s31] =	ssyncpa.u1 $0x1  }
0x47: {  	p0 =	sne.s32 s1, $0x0;
	_ =	strace $0x9000005C  }
0x48: {  	s0 =	sadd.s32 @!p0 $0x100000, s0;
	[bflag:$0x2] =	sbarrier.arrive $0xFFFF  }
0x49: {  	[sflag:s0] =	ssyncadd.tile.s32 @!p0 $0x1;
	_ =	shalt  }
.Lfunc_end2:
_tile_overlayer_lowered:
.L_overlay_start_2:
0x4a: {  	(tag) =	ssettag $0x2  }
0x4b: {  	s0 =	rddreg [dreg:$0x0];
	s2 =	stileid.u32  }
0x4c: {  	s1 =	rddreg [dreg:$0x1];
	p0 =	sne.s32 s2, $0x0  }
0x4d: {  	s3 =	rddreg [dreg:$0x2];
	[bflag:$0x3] =	sbarrier.arrive $0xFFFF;
	s2 =	simm.s32 @!p0 $0x1C01  }
0x4e: {  	[timem:s3], [sflag:s2] =	dma.local @!p0 [hbm:s0], s1  }
0x4f: {  	s0 =	simm.s32 @!p0 $0x1  }
0x50: {  	_ =	swait.ge @!p0 [sflag:s0], s1  }
0x51: {  	s1 =	ssub.s32 @!p0 $0x0, s1;
	[sflag:s0] =	ssyncset.done @!p0 $0x0  }
0x52: {  	[sflag:s0] =	ssyncadd.s32 @!p0 s1  }
0x53: {  	[bflag:$0x3] =	sbarrier.arrive $0xFFFF  }
0x54: {  	_ =	shalt  }

// kernel: sparse-core-data-format-call.cloned.1.call-start
scs
called_computation_lowered:
.L_overlay_start_0:
0x0: {  	s2 =	sld [smem:$0x3FD9]  }
0x1: {  	s3 =	sld [smem:$0x3FFE];
	_ =	sdelay $0x1  }
0x2: {  	s1 =	srdreg.scid  }
0x3: {  	s0 =	sand.u32 $0x1, s1  }
0x4: {  	s18 =	sshll.u32 s0, $0xA;
	s2 =	sadd.s32 s3, s2  }
0x5: {  	s2 =	sadd.s32 s2, s18  }
0x6: {  	[smem:$0x3FC6] =	sst s2  }
0x7: {  	_ = 	snop  }
0x8: {  	(tm) =	ssettm $0x1  }
0x9: {  	s19 =	sld [smem:$0x3FFB];
	_ =	sdelay $0x3  }
0xa: {  	_ =	strace s19  }
0xb: {  	s2 =	sld [smem:$0x3FFC];
	_ =	sdelay $0x3  }
0xc: {  	_ =	strace s2  }
0xd: {  	s2 =	sld [smem:$0x3FFD];
	_ =	sdelay $0x3  }
0xe: {  	_ =	strace s2  }
0xf: {  	_ =	strace $0x8FFFFFFF  }
0x10: {  	s20 =	sld [smem:$0x3FDB];
	_ =	sdelay $0x1  }
0x11: {  	s21 =	simm.s32 $_scs_section_size  }
0x12: {  	s4 =	simm.s32 $_size__tile_overlayer_lowered;
	s5 =	simm.s32 $_tile_overlayer_lowered  }
0x13: {  	s6 =	simm.s32 $0x1BFF;
	s22 =	sshll.u32 s5, $0x1;
	s3 =	sadd.s32 s21, s20  }
0x14: {  	s23 =	simm.s32 $0x0;
	s4 =	sshll.u32 s4, $0x1;
	s5 =	sadd.s32 s22, s3  }
0x15: {  	[timem:s23], [sflag:s6] =	dma.local [hbm:s5], s4  }
0x16: {  	_ =	swait.ge [sflag:s6], s4  }
0x17: {  	s4 =	ssub.s32 $0x0, s4;
	[sflag:s6] =	ssyncset.done $0x0  }
0x18: {  	[sflag:s6] =	ssyncadd.s32 s4;
	_ =	sdelay $0x1  }
0x19: {  	s24 =	simm.s32 $0x1B8B  }
0x1a: {  	_ =	swait.ge [sflag:s24], $0x1  }
0x1b: {  	[sflag:s24] =	ssyncset.done $0x0  }
0x1c: {  	[sflag:s24] =	ssyncadd.s32 $0xFFFFFFFF  }
0x1d: {  	s4 =	sld [smem:$0x0]  }
0x1e: {  	s5 =	sand.u32 $0xFFFFFFFE, s1  }
0x1f: {  	p0 =	sne.s32 s1, s5  }
0x20: {  	s5 =	sshll.u32 @p0 s5, $0xE  }
0x21: {  	s5 =	sadd.s32 @p0 $0x11B8D, s5;
	s6 =	sshll.u32 @p0 s4, $0x11  }
0x22: {  	s5 =	sor.u32 @p0 s6, s5  }
0x23: {  	[sflag:s5] =	ssyncadd.remote.s32 @p0 $0x1;
	_ =	sdelay $0x1  }
0x24: {  	s5 =	simm.s32 @p0 $0x1B8D  }
0x25: {  	_ =	swait.eq @p0 [sflag:s5], $0x1  }
0x26: {  	[sflag:s5] =	ssyncadd.s32 @p0 $0xFFFFFFFF  }
0x27: {  	s6 =	sshll.u32 @!p0 s1, $0xE  }
0x28: {  	s6 =	sor.u32 @!p0 $0x4000, s6;
	s5 =	simm.s32 @!p0 $0x1B8D  }
0x29: {  	s4 =	sshll.u32 @!p0 s4, $0x11;
	s6 =	sadd.s32 @!p0 $0x11B8D, s6;
	_ =	swait.eq @!p0 [sflag:s5], $0x1  }
0x2a: {  	s4 =	sor.u32 @!p0 s4, s6;
	[sflag:s5] =	ssyncadd.s32 @!p0 $0xFFFFFFFF  }
0x2b: {  	s26 =	simm.s32 $0x1B8E;
	s25 =	sld [smem:$0x3FFE];
	[sflag:s4] =	ssyncadd.remote.s32 @!p0 $0x1  }
0x2c: {  	s27 =	simm.s32 $execute0_lowered;
	[smem:$0x3FD2] =	sst s26  }
0x2d: {  	s5 =	sshll.u32 s27, $0x1;
	_ =	strace $0x80000052;
	[dreg:$0x1] =	wrdreg $0xFFFFFFFF  }
0x2e: {  	s28 =	simm.s32 $_size_execute0_lowered;
	s3 =	sadd.s32 s3, s5;
	[dreg:$0x0] =	wrdreg $0x0  }
0x2f: {  	s5 =	sshll.u32 s28, $0x1;
	[dreg:$0x2] =	wrdreg s3  }
0x30: {  	[dreg:$0x3] =	wrdreg s5  }
0x31: {  	[dreg:$0x4] =	wrdreg $0xC0  }
0x32: {  	_ =	task [dreg:s23], $0x5FFFF  }
0x33: {  	[dreg:$0x1] =	wrdreg $0xFFFFFFFF  }
0x34: {  	[dreg:$0x0] =	wrdreg $0x60  }
0x35: {  	[dreg:$0x2] =	wrdreg s25  }
0x36: {  	[dreg:$0x3] =	wrdreg $0x9  }
0x37: {  	_ =	task.clear_ibuf [dreg:s23], $0x4FFFF;
	_ =	strace $0x90000052  }
0x38: {  	s29 =	simm.s32 $0x9;
	_ =	strace $0x80000054  }
0x39: {  	_ =	swait.ge [sflag:s29], $0x1  }
0x3a: {  	[sflag:s29] =	ssyncadd.s32 $0xFFFFFFFF  }
0x3b: {  	_ =	strace $0x90000054  }
0x3c: {  	_ =	sfence  }
0x3d: {  	s30 =	sld [smem:$0x0];
	_ =	sdelay $0x2  }
0x3e: {  	s31 =	sshll.u32 s1, $0xD;
	s1 =	sshrl.u32 s1, $0x2  }
0x3f: {  	s4 =	sand.u32 $0x4000, s31;
	s1 =	sadd.s32 s1, s30  }
0x40: {  	s0 =	sor.u32 s4, s0;
	s1 =	sshll.u32 s1, $0x11  }
0x41: {  	s0 =	sor.u32 s1, s0  }
0x42: {  	s0 =	sadd.s32 $0x8F2B, s0  }
0x43: {  	[sflag:s0] =	ssyncadd.remote.s32 $0x1  }
0x44: {  	_ =	sfence.sel $0xFFFF  }
0x45: {  	[dreg:$0x0] =	wrdreg $0xFFFFFFFF;
	(pc) =	sbr.abs _section_cstart, $3  }
0x46: {  	[dreg:$0x1] =	wrdreg $0xFFFFFFFF  }
0x47: {  	_ =	task.clear_ibuf [dreg:s23], $0x2FFFF;
	_ =	strace $0x9FFFFFFF  }
0x48: {  	(tm) =	ssettm $0x7FFFFFFF  }
0x49: {  	_ =	shalt  }
tec
execute0_lowered:
.L_overlay_start_1:
0x0: {  	(tag) =	ssettag $0x1  }
0x1: {  	s0 =	stileid.u32  }
0x2: {  	s1 =	srdreg.scid;
	s7 =	rddreg [dreg:$0x0]  }
0x3: {  	s31 =	simm.s32 $0x2;
	s14 =	simm.s32 $0x0;
	s13 =	simm.s32 $0x0  }
0x4: {  	s2 =	sshll.u32 s0, $0x6;
	s1 =	sshll.u32 s1, $0xA;
	s3 =	sshll.u32 s0, $0x7  }
0x5: {  	s12 =	simm.s32 $0x0;
	s1 =	sor.u32 s2, s1;
	s2 =	sand.u32 $0x80, s3  }
0x6: {  	s3 =	sand.u32 $0x780, s1;
	s1 =	rddreg [dreg:$0x1];
	s4 =	ssub.s32 $0x100, s2  }
0x7: {  	_ =	strace $0x80000053;
	s11 =	smov.u32 s2;
	s5 =	ssub.s32 $0x10000, s3  }
0x8: {  	s6 =	sshrl.u32 s4, $0x8;
	s4 =	sshrl.u32 s4, $0x7;
	s8 =	sand.u32 $0x780, s5  }
0x9: {  	s9 =	sand.u32 $0x1, s4;
	p0 =	sne.s32 s8, $0x0;
	s8 =	simm.s32 $0x1  }
.Ltmp0:
0xa: {  	s5 =	sshrl.u32 s5, $0xB;
	s8 =	simm.s32 @!p0 $0x0;
	(pc) =	sbr.rel .LBB1_1-.Ltmp0, $4  }
0xb: {  	s4 =	simm.s32 $0x1;
	s6 =	sadd.s32 s6, s9;
	s5 =	sadd.s32 s8, s5  }
0xc: {  	s10 =	smov.u32 s3;
	[sflag:s4] =	ssyncpa.u1 $0x0;
	s5 =	smul.u32 s6, s5  }
0xd: {  	s9 =	simm.s32 $0x800;
	[sflag:s31] =	ssyncpa.u1 $0x0;
	p0 =	por $0x0, $0x0  }
0xe: {  	s6 =	sadd.s32 $0xBE00, s7;
	s7 =	sadd.s32 $0xA47E00, s7;
	s8 =	sadd.s32 $0x1, s5  }
.LBB1_4:
0xf: {  	v5 =	vld [tilespmem:s18+$0xFFFFFFD0]  }
0x10: {  	[tilespmem:s17+$0x2040 ss:$0x81] =	vst.msk $0xffff, v1;
	v58 =	vld [tilespmem:s18+$0xFFFFFFE0]  }
0x11: {  	[tilespmem:s17+$0x2850 ss:$0x81] =	vst.msk $0xffff, v2;
	v59 =	vld [tilespmem:s18+$0xFFFFFFF0]  }
0x12: {  	s19 =	sshra.s32 s19, $0x2;
	[tilespmem:s17+$0x3060 ss:$0x81] =	vst.msk $0xffff, v3;
	v60 =	vld [tilespmem:s18+$0x0]  }
0x13: {  	[tilespmem:s17+$0x0 ss:$0x81] =	vst.msk $0xffff, v0;
	v61 =	vld [tilespmem:s18+$0x10];
	s16 =	sadd.s32 s19, s16  }
0x14: {  	v62 =	vld [tilespmem:s18+$0x20];
	[tilespmem:s16+$0x3870 ss:$0x81] =	vst.msk $0xffff, v4  }
0x15: {  	v63 =	vld [tilespmem:s18+$0xFFFFFFC0];
	s27 =	sshll.u32 s14, $0x8;
	s28 =	sshll.u32 s13, $0x3;
	[tilespmem:s16+$0x810 ss:$0x81] =	vst.msk $0xffff, v5  }
0x16: {  	s29 =	sshll.u32 s14, $0x7;
	s17 =	sand.u32 $0xFFF800, s27;
	s18 =	sand.u32 $0xFFFC00, s28;
	[tilespmem:s16+$0x1020 ss:$0x81] =	vst.msk $0xffff, v58  }
0x17: {  	s30 =	sand.u32 $0x78, s13;
	s14 =	sand.u32 $0x380, s29;
	s17 =	sadd.s32 s18, s17;
	[tilespmem:s16+$0x1830 ss:$0x81] =	vst.msk $0xffff, v59  }
0x18: {  	s14 =	sor.u32 s30, s14;
	s17 =	sand.u32 $0xFFFC00, s17;
	[tilespmem:s16+$0x2040 ss:$0x81] =	vst.msk $0xffff, v60  }
0x19: {  	s31 =	sand.u32 $0x7, s13;
	s14 =	sor.u32 s17, s14;
	[tilespmem:s16+$0x2850 ss:$0x81] =	vst.msk $0xffff, v61  }
0x1a: {  	s13 =	sshll.u32 s31, $0x12;
	[tilespmem:s16+$0x3060 ss:$0x81] =	vst.msk $0xffff, v62;
	s14 =	sshrl.u32 s14, $0x3  }
0x1b: {  	s13 =	sor.u32 $0x400, s13;
	[tilespmem:s16+$0x0 ss:$0x81] =	vst.msk $0xffff, v63;
	s14 =	sadd.s32 s7, s14  }
0x1c: {  	[hbm4b:s14+s13] =	stream.strided.scatter [tilespmem:s15], [sflag:$0x2], $0x4000, s9, s13, $0x20;
	[tilespmem:$0x10100] =	vst v63  }
.LBB1_5:
0x1d: {  	s15 =	sadd.s32 $0x800, s10  }
0x1e: {  	s13 =	sadd.s32 $0x100, s11;
	s17 =	smov.u32 s11;
	p2 =	sgt.s32 s15, $0xFFFF  }
0x1f: {  	s17 =	smov.u32 @p2 s13  }
0x20: {  	s15 =	smov.u32 @p2 s3;
	p2 =	sgt.s32 s17, $0xFF  }
0x21: {  	s17 =	smov.u32 @p2 s2;
	p2 =	sne.s32 s12, s8  }
.Ltmp1:
0x22: {  	p1 =	slt.u32 s12, $0x2;
	(pc) =	sbr.rel @!p2 .LBB1_6-.Ltmp1, $4  }
0x23: {  	s16 =	simm.s32 @!p1 $0x2  }
0x24: {  	s14 =	smov.u32 s10;
	p0 =	por !p0, !p0;
	_ =	swait.ge @!p1 [sflag:s16], $0x4000  }
0x25: {  	s13 =	smov.u32 s11;
	[sflag:s16] =	ssyncset.done @!p1 $0x0;
	s10 =	smov.u32 s15  }
0x26: {  	s12 =	sadd.s32 $0x1, s12;
	[sflag:s16] =	ssyncadd.s32 @!p1 $0xFFFFC000;
	s11 =	smov.u32 s17  }
.LBB1_1:
0x27: {  	p1 =	sge.u32 s12, s5;
	s31 =	sadd.s32 $0xFFFFFFFF, s12  }
0x28: {  	s15 =	sand.u32 @!p1 $0x78, s10;
	s16 =	sshll.u32 @!p1 s11, $0x10;
	s17 =	sshll.u32 @!p1 s11, $0x7  }
0x29: {  	s18 =	sshll.u32 @!p1 s10, $0x3;
	s16 =	sand.u32 @!p1 $0xF80000, s16;
	s17 =	sand.u32 @!p1 $0x380, s17  }
0x2a: {  	s16 =	sadd.s32 @!p1 s16, s18;
	s18 =	sand.u32 @!p1 $0xFC00, s18;
	s15 =	sor.u32 @!p1 s17, s15  }
0x2b: {  	s17 =	sxor.u32 @!p1 $0xFFFFFFFF, s12;
	s16 =	sand.u32 @!p1 $0xFF0000, s16;
	s15 =	sor.u32 @!p1 s18, s15  }
0x2c: {  	s17 =	sshll.u32 @!p1 s17, $0xE;
	s15 =	sor.u32 @!p1 s16, s15;
	s16 =	sand.u32 @!p1 $0x7, s10  }
0x2d: {  	s18 =	simm.s32 @!p1 $0x80000;
	s15 =	sshrl.u32 @!p1 s15, $0x3;
	s16 =	sshll.u32 @!p1 s16, $0x12  }
0x2e: {  	s17 =	sand.u32 @!p1 $0x4000, s17;
	s15 =	sadd.s32 @!p1 s6, s15;
	s16 =	sor.u32 @!p1 $0x400, s16  }
0x2f: {  	[tilespmem:s17], [sflag:$0x1] =	stream.strided.gather @!p1 [hbm4b:s15+s16], $0x4000, s18, s16, $0x38;
	[tilespmem:$0x10100] =	vst v63  }
0x30: {  	p1 =	sge.u32 s31, s5  }
.Ltmp2:
0x31: {  	_ = 	snop;
	(pc) =	sbr.rel @p1 .LBB1_5-.Ltmp2, $1  }
0x32: {  	_ =	sdelay $0x3  }
0x33: {  	s15 =	simm.s32 $0x1  }
0x34: {  	_ =	swait.ge [sflag:s4], $0x4000;
	s15 =	simm.s32 @!p0 $0x0  }
0x35: {  	[sflag:s4] =	ssyncset.done $0x0;
	s16 =	sshll.u32 s15, $0xE  }
0x36: {  	[sflag:s4] =	ssyncadd.s32 $0xFFFFC000;
	s18 =	sor.u32 $0x40, s16  }
0x37: {  	s15 =	smul.u32 $0x10200, s15;
	v0 =	vld [tilespmem:s18+$0x30]  }
0x38: {  	v3 =	vld [tilespmem:s18+$0xFFFFFFD0]  }
0x39: {  	s15 =	sshrl.u32 s15, $0x2;
	v4 =	vld [tilespmem:s18+$0xFFFFFFE0]  }
0x3a: {  	v5 =	vld [tilespmem:s18+$0xFFFFFFF0];
	s16 =	sor.u32 $0x8000, s15  }
0x3b: {  	s31 =	sand.u32 $0x1, s12;
	v1 =	vld [tilespmem:s18+$0x0];
	s17 =	sadd.s32 $0x0, s16  }
0x3c: {  	v2 =	vld [tilespmem:s18+$0x10];
	s15 =	smul.u32 $0x10200, s31;
	[tilespmem:s17+$0x3870 ss:$0x81] =	vst.msk $0xffff, v0  }
0x3d: {  	[tilespmem:s17+$0x810 ss:$0x81] =	vst.msk $0xffff, v3;
	v3 =	vld [tilespmem:s18+$0x20]  }
0x3e: {  	s15 =	sshrl.u32 s15, $0x2;
	v0 =	vld [tilespmem:s18+$0xFFFFFFC0];
	[tilespmem:s17+$0x1020 ss:$0x81] =	vst.msk $0xffff, v4;
	s18 =	sadd.s32 $0x80, s18  }
0x3f: {  	s19 =	simm.s32 $0x4;
	s20 =	simm.s32 $0x8;
	s15 =	sor.u32 $0x8000, s15;
	[tilespmem:s17+$0x1830 ss:$0x81] =	vst.msk $0xffff, v5;
	v4 =	vld [tilespmem:s18+$0x30]  }
.LBB1_3:
0x40: {  	p1 =	sne.s32 s20, $0x1FC;
	v5 =	vld [tilespmem:s18+$0xFFFFFFD0];
	[tilespmem:s17+$0x2040 ss:$0x81] =	vst.msk $0xffff, v1  }
0x41: {  	v6 =	vld [tilespmem:s18+$0xFFFFFFE0];
	[tilespmem:s17+$0x2850 ss:$0x81] =	vst.msk $0xffff, v2  }
0x42: {  	s21 =	sshra.s32 s19, $0x2;
	s19 =	smov.u32 s20;
	v7 =	vld [tilespmem:s18+$0xFFFFFFF0];
	[tilespmem:s17+$0x3060 ss:$0x81] =	vst.msk $0xffff, v3  }
.Ltmp3:
0x43: {  	v1 =	vld [tilespmem:s18+$0x0];
	[tilespmem:s17+$0x0 ss:$0x81] =	vst.msk $0xffff, v0;
	s17 =	sadd.s32 s21, s16;
	(pc) =	sbr.rel @p1 .LBB1_3-.Ltmp3, $4  }
0x44: {  	v2 =	vld [tilespmem:s18+$0x10];
	[tilespmem:s17+$0x3870 ss:$0x81] =	vst.msk $0xffff, v4  }
0x45: {  	[tilespmem:s17+$0x810 ss:$0x81] =	vst.msk $0xffff, v5;
	v3 =	vld [tilespmem:s18+$0x20]  }
0x46: {  	v0 =	vld [tilespmem:s18+$0xFFFFFFC0];
	[tilespmem:s17+$0x1020 ss:$0x81] =	vst.msk $0xffff, v6;
	s18 =	sadd.s32 $0x80, s18  }
0x47: {  	s20 =	sadd.s32 $0x4, s20;
	v4 =	vld [tilespmem:s18+$0x30];
	[tilespmem:s17+$0x1830 ss:$0x81] =	vst.msk $0xffff, v7  }
.Ltmp4:
0x48: {  	_ = 	snop;
	(pc) =	sbr.rel .LBB1_4-.Ltmp4, $1  }
0x49: {  	_ =	sdelay $0x3  }
.LBB1_6:
0x4a: {  	_ =	sfence.sel $0x180000  }
0x4b: {  	s2 =	simm.s32 $0x1;
	[bflag:$0x0] =	sbarrier.arrive $0xFFFF  }
0x4c: {  	s31 =	simm.s32 $0x2;
	[sflag:s2] =	ssyncpa.u1 $0x1  }
0x4d: {  	[sflag:s31] =	ssyncpa.u1 $0x1  }
0x4e: {  	p0 =	sne.s32 s0, $0x0;
	_ =	strace $0x90000053  }
0x4f: {  	s0 =	sadd.s32 @!p0 $0x100000, s1;
	[bflag:$0x2] =	sbarrier.arrive $0xFFFF  }
0x50: {  	[sflag:s0] =	ssyncadd.tile.s32 @!p0 $0x1;
	_ =	shalt  }
.Lfunc_end1:
_tile_overlayer_lowered:
.L_overlay_start_2:
0x51: {  	(tag) =	ssettag $0x2  }
0x52: {  	s0 =	rddreg [dreg:$0x0];
	s2 =	stileid.u32  }
0x53: {  	s1 =	rddreg [dreg:$0x1];
	p0 =	sne.s32 s2, $0x0  }
0x54: {  	s3 =	rddreg [dreg:$0x2];
	[bflag:$0x3] =	sbarrier.arrive $0xFFFF;
	s2 =	simm.s32 @!p0 $0x1C01  }
0x55: {  	[timem:s3], [sflag:s2] =	dma.local @!p0 [hbm:s0], s1  }
0x56: {  	s0 =	simm.s32 @!p0 $0x1  }
0x57: {  	_ =	swait.ge @!p0 [sflag:s0], s1  }
0x58: {  	s1 =	ssub.s32 @!p0 $0x0, s1;
	[sflag:s0] =	ssyncset.done @!p0 $0x0  }
0x59: {  	[sflag:s0] =	ssyncadd.s32 @!p0 s1  }
0x5a: {  	[bflag:$0x3] =	sbarrier.arrive $0xFFFF  }
0x5b: {  	_ =	shalt  }

</sc_bundles>
